<compile_context>
chip_gen: v7x
topology: tpu7x:2x2x1
jax: 0.10.2.dev20260603
libtpu: 0.0.44.dev20260713+nightly
codegen_flags: <defaults>
</compile_context>

<pallas_src>
import functools

import jax
import jax.numpy as jnp
from jax.experimental import pallas as pl
from jax.experimental.pallas import tpu as pltpu

_NPLANETS = 100
_NEDGES = _NPLANETS * (_NPLANETS - 1) // 2
_TB = 8

_PI = 3.14159265358979
_HALF_PI = 1.5707963267948966


def _atan_poly(a):
    s = a * a
    p = -0.0134804700
    p = p * s + 0.0574773140
    p = p * s - 0.1212390710
    p = p * s + 0.1956359250
    p = p * s - 0.3329945970
    p = p * s + 0.9999956300
    return a * p


def _atan2(y, x):
    ax = jnp.abs(x)
    ay = jnp.abs(y)
    mx = jnp.maximum(ax, ay)
    mn = jnp.minimum(ax, ay)
    a = mn / jnp.maximum(mx, 1e-30)
    r = _atan_poly(a)
    r = jnp.where(ay > ax, _HALF_PI - r, r)
    r = jnp.where(x < 0.0, _PI - r, r)
    return jnp.where(y < 0.0, -r, r)


def _sin_reduced(y):
    s = y * y
    p = -1.9515296e-4
    p = p * s + 8.3321608e-3
    p = p * s - 0.16666654
    return y + y * s * p


def _sin(x):
    n = jnp.round(x * (1.0 / _PI))
    y = x - n * _PI
    sgn = 1.0 - 2.0 * jnp.abs(n - 2.0 * jnp.round(n * 0.5))
    return sgn * _sin_reduced(y)


def _cos(x):
    return _sin(x + _HALF_PI)


def _body(x_ref, rrow_ref, srow_ref, rcol_ref, scol_ref,
          wb1_ref, w2_ref, b2_ref, wb3_ref, b3_ref, lm_ref,
          out_ref, rms_ref, sph_ref, h2_ref, ec_ref, ilm_ref):
    i = pl.program_id(0)

    @pl.when(i == 0)
    def _setup():
        lm = jnp.clip(lm_ref[...], -12.0, 12.0)
        ilm_ref[...] = jnp.exp(-lm)
        iota_n = jax.lax.broadcasted_iota(jnp.int32, (_NEDGES, _NPLANETS), 1)
        roh = (rcol_ref[...] == iota_n).astype(jnp.float32)
        soh = (scol_ref[...] == iota_n).astype(jnp.float32)
        rms_ref[...] = roh - soh
        iota_r = jax.lax.broadcasted_iota(jnp.int32, (_NPLANETS, _NEDGES), 0)
        roh_t = (rrow_ref[...] == iota_r).astype(jnp.float32)
        soh_t = (srow_ref[...] == iota_r).astype(jnp.float32)
        lmr = jnp.dot(lm, roh_t, preferred_element_type=jnp.float32)
        lms = jnp.dot(lm, soh_t, preferred_element_type=jnp.float32)
        sph_ref[3 * _TB : 3 * _TB + 1] = lmr
        sph_ref[3 * _TB + 1 : 3 * _TB + 2] = lms
        sph_ref[3 * _TB + 2 : 3 * _TB + 3] = jnp.ones_like(lmr)

    x = x_ref[0]
    y = x_ref[1]
    z = x_ref[2]
    rxy2 = x * x + y * y
    r = jnp.sqrt(rxy2 + z * z) + 1e-12
    theta = _atan2(jnp.sqrt(rxy2), z)
    phi = _atan2(y, x)
    sph_ref[0:_TB] = r
    sph_ref[_TB : 2 * _TB] = theta
    sph_ref[2 * _TB : 3 * _TB] = phi

    h = jnp.tanh(jnp.dot(wb1_ref[...], sph_ref[0 : 3 * _TB + 3],
                         preferred_element_type=jnp.float32))
    b2 = b2_ref[...]
    w2 = w2_ref[...]
    for t in range(_TB):
        ht = h[t * 32 : (t + 1) * 32]
        h2_ref[t * 32 : (t + 1) * 32] = jnp.tanh(
            jnp.dot(w2, ht, preferred_element_type=jnp.float32) + b2)
    e = jnp.dot(wb3_ref[...], h2_ref[...],
                preferred_element_type=jnp.float32) + b3_ref[...]
    er = e[0:_TB]
    eth = e[_TB : 2 * _TB]
    eph = e[2 * _TB : 3 * _TB]
    st = _sin(eth)
    ec_ref[0:_TB] = er * st * _cos(eph)
    ec_ref[_TB : 2 * _TB] = er * st * _sin(eph)
    ec_ref[2 * _TB : 3 * _TB] = er * _cos(eth)
    f = jnp.dot(ec_ref[...], rms_ref[...],
                preferred_element_type=jnp.float32)
    out_ref[...] = (f * ilm_ref[...]).reshape(3, _TB, _NPLANETS)


@functools.partial(jax.jit, static_argnames=())
def kernel(D_V, senders, receivers, W1, b1, W2, b2, W3, b3, logm_planets):
    ntime = D_V.shape[0] // _NEDGES
    ridx = jnp.arange(ntime * _NEDGES, dtype=jnp.int32)
    dt = jnp.stack([D_V[ridx, c] for c in range(3)]).reshape(
        3, ntime, _NEDGES)
    rrow = receivers.reshape(1, _NEDGES)
    srow = senders.reshape(1, _NEDGES)
    rcol = receivers.reshape(_NEDGES, 1)
    scol = senders.reshape(_NEDGES, 1)

    eye = jnp.eye(_TB, dtype=jnp.float32)
    wb1k = jnp.einsum("cf,tu->tfcu", W1[:3], eye).reshape(32 * _TB, 3 * _TB)
    wb1x = jnp.concatenate(
        [jnp.tile(W1[3], _TB).reshape(-1, 1),
         jnp.tile(W1[4], _TB).reshape(-1, 1),
         jnp.tile(b1, _TB).reshape(-1, 1)], axis=1)
    wb1 = jnp.concatenate([wb1k, wb1x], axis=1)
    w2t = W2.T
    b2c = b2.reshape(32, 1)
    wb3 = jnp.einsum("fc,tu->ctuf", W3, eye).reshape(3 * _TB, 32 * _TB)
    b3r = jnp.repeat(b3, _TB).reshape(3 * _TB, 1)
    lm = logm_planets.reshape(1, _NPLANETS)

    grid = ntime // _TB
    out = pl.pallas_call(
        _body,
        grid=(grid,),
        in_specs=[
            pl.BlockSpec((3, _TB, _NEDGES), lambda i: (0, i, 0)),
            pl.BlockSpec((1, _NEDGES), lambda i: (0, 0)),
            pl.BlockSpec((1, _NEDGES), lambda i: (0, 0)),
            pl.BlockSpec((_NEDGES, 1), lambda i: (0, 0)),
            pl.BlockSpec((_NEDGES, 1), lambda i: (0, 0)),
            pl.BlockSpec((32 * _TB, 3 * _TB + 3), lambda i: (0, 0)),
            pl.BlockSpec((32, 32), lambda i: (0, 0)),
            pl.BlockSpec((32, 1), lambda i: (0, 0)),
            pl.BlockSpec((3 * _TB, 32 * _TB), lambda i: (0, 0)),
            pl.BlockSpec((3 * _TB, 1), lambda i: (0, 0)),
            pl.BlockSpec((1, _NPLANETS), lambda i: (0, 0)),
        ],
        out_specs=pl.BlockSpec((3, _TB, _NPLANETS), lambda i: (0, i, 0)),
        out_shape=jax.ShapeDtypeStruct((3, ntime, _NPLANETS), jnp.float32),
        scratch_shapes=[
            pltpu.VMEM((_NEDGES, _NPLANETS), jnp.float32),
            pltpu.VMEM((3 * _TB + 3, _NEDGES), jnp.float32),
            pltpu.VMEM((32 * _TB, _NEDGES), jnp.float32),
            pltpu.VMEM((3 * _TB, _NEDGES), jnp.float32),
            pltpu.VMEM((1, _NPLANETS), jnp.float32),
        ],
        compiler_params=pltpu.CompilerParams(
            dimension_semantics=("arbitrary",)),
    )(dt, rrow, srow, rcol, scol, wb1, w2t, b2c, wb3, b3r, lm)
    return out.transpose(1, 2, 0)

# --- scband reference (transcript-rebuilt; emitter-appended) ---
"""Pipeline reference for scband-learn-forces2-43104291783447 (READ-ONLY COPY).

The authoritative reference and input builder live on the scoring server;
editing this copy changes nothing except your own understanding.
"""

import jax, jax.numpy as jnp
import numpy as np

NPLANETS = 100
NEDGES = NPLANETS * (NPLANETS - 1) // 2  # 4950
NTIME = 1024


def cartesian_to_spherical_coordinates(v):
    x, y, z = v[:, 0], v[:, 1], v[:, 2]
    r = jnp.sqrt(x * x + y * y + z * z) + 1e-12
    theta = jnp.arccos(jnp.clip(z / r, -1.0 + 1e-7, 1.0 - 1e-7))
    phi = jnp.arctan2(y, x)
    return jnp.stack([r, theta, phi], axis=1)


def spherical_to_cartesian_coordinates(v):
    r, theta, phi = v[:, 0], v[:, 1], v[:, 2]
    st = jnp.sin(theta)
    x = r * st * jnp.cos(phi)
    y = r * st * jnp.sin(phi)
    z = r * jnp.cos(theta)
    return jnp.stack([x, y, z], axis=1)


def setup_inputs(seed: int = 0) -> dict:
    key = jax.random.key(seed)
    ks = jax.random.split(key, 8)
    D_V = jax.random.normal(ks[0], (NTIME * NEDGES, 3), dtype=jnp.float32)
    s, r = np.triu_indices(NPLANETS, 1)
    senders = jnp.asarray(s, dtype=jnp.int32)
    receivers = jnp.asarray(r, dtype=jnp.int32)
    # edge MLP params: input = concat([edges(3), recv_nodes(1), send_nodes(1)]) -> 5
    W1 = jax.random.normal(ks[1], (5, 32), dtype=jnp.float32) * 0.4
    b1 = jnp.zeros((32,), dtype=jnp.float32)
    W2 = jax.random.normal(ks[2], (32, 32), dtype=jnp.float32) * 0.18
    b2 = jnp.zeros((32,), dtype=jnp.float32)
    W3 = jax.random.normal(ks[3], (32, 3), dtype=jnp.float32) * 0.18
    b3 = jnp.zeros((3,), dtype=jnp.float32)
    logm_planets = jax.random.normal(ks[4], (NPLANETS,), dtype=jnp.float32)
    return {"D_V": D_V, "senders": senders, "receivers": receivers,
            "W1": W1, "b1": b1, "W2": W2, "b2": b2, "W3": W3, "b3": b3,
            "logm_planets": logm_planets}


def reference(D_V, senders, receivers, W1, b1, W2, b2, W3, b3, logm_planets):
    ntime = D_V.shape[0] // NEDGES
    # inference path (training=False): no mass noise, no shuffle
    lm = jnp.clip(logm_planets, -12.0, 12.0)
    nodes = jnp.tile(lm, ntime)[:, None]  # [ntime*nplanets, 1]
    offs = (jnp.arange(ntime, dtype=jnp.int32) * NPLANETS)[:, None]
    senders_g = (senders[None, :] + offs).reshape(-1)
    receivers_g = (receivers[None, :] + offs).reshape(-1)
    edges = cartesian_to_spherical_coordinates(D_V)
    # graph_nets EdgeBlock: concat([edges, receiver_nodes, sender_nodes])
    edge_in = jnp.concatenate([edges,
                               jnp.take(nodes, receivers_g, axis=0),
                               jnp.take(nodes, senders_g, axis=0)], axis=1)
    h = jnp.tanh(edge_in @ W1 + b1)
    h = jnp.tanh(h @ W2 + b2)
    e = h @ W3 + b3
    e_cart = spherical_to_cartesian_coordinates(e)
    n_nodes = ntime * NPLANETS
    recv_sum = jax.ops.segment_sum(e_cart, receivers_g, num_segments=n_nodes)
    sent_sum = jax.ops.segment_sum(e_cart, senders_g, num_segments=n_nodes)
    f = recv_sum - sent_sum
    a = f / jnp.exp(nodes)
    return a.reshape(ntime, NPLANETS, 3)

if __name__ == "__main__":
    import jax
    _d = setup_inputs()
    print(jax.jit(kernel)(*tuple(_d.values())))

</pallas_src>

<mosaic_0001>
module attributes {stable_mosaic.version = 14 : i64} {
  func.func @_body(%arg0: i32, %arg1: memref<3x8x4950xf32, #tpu.memory_space<vmem>>, %arg2: memref<1x4950xi32, #tpu.memory_space<vmem>>, %arg3: memref<1x4950xi32, #tpu.memory_space<vmem>>, %arg4: memref<4950x1xi32, #tpu.memory_space<vmem>>, %arg5: memref<4950x1xi32, #tpu.memory_space<vmem>>, %arg6: memref<256x27xf32, #tpu.memory_space<vmem>>, %arg7: memref<32x32xf32, #tpu.memory_space<vmem>>, %arg8: memref<32x1xf32, #tpu.memory_space<vmem>>, %arg9: memref<24x256xf32, #tpu.memory_space<vmem>>, %arg10: memref<24x1xf32, #tpu.memory_space<vmem>>, %arg11: memref<1x100xf32, #tpu.memory_space<vmem>>, %arg12: memref<3x8x100xf32, #tpu.memory_space<vmem>>, %arg13: memref<4950x100xf32, #tpu.memory_space<vmem>>, %arg14: memref<27x4950xf32, #tpu.memory_space<vmem>>, %arg15: memref<256x4950xf32, #tpu.memory_space<vmem>>, %arg16: memref<24x4950xf32, #tpu.memory_space<vmem>>, %arg17: memref<1x100xf32, #tpu.memory_space<vmem>>) attributes {dimension_semantics = [#tpu.dimension_semantics<arbitrary>], iteration_bounds = array<i64: 128>, scalar_prefetch = 0 : i64, scratch_operands = 5 : i64, tpu.core_type = #tpu.core_type<tc>, window_params = [{transform_indices = @transform_0, window_bounds = array<i64: 3, 8, 4950>}, {pipeline_mode = #tpu.pipeline_mode<synchronous>, transform_indices = @transform_1, window_bounds = array<i64: 1, 4950>}, {pipeline_mode = #tpu.pipeline_mode<synchronous>, transform_indices = @transform_2, window_bounds = array<i64: 1, 4950>}, {pipeline_mode = #tpu.pipeline_mode<synchronous>, transform_indices = @transform_3, window_bounds = array<i64: 4950, 1>}, {pipeline_mode = #tpu.pipeline_mode<synchronous>, transform_indices = @transform_4, window_bounds = array<i64: 4950, 1>}, {pipeline_mode = #tpu.pipeline_mode<synchronous>, transform_indices = @transform_5, window_bounds = array<i64: 256, 27>}, {pipeline_mode = #tpu.pipeline_mode<synchronous>, transform_indices = @transform_6, window_bounds = array<i64: 32, 32>}, {pipeline_mode = #tpu.pipeline_mode<synchronous>, transform_indices = @transform_7, window_bounds = array<i64: 32, 1>}, {pipeline_mode = #tpu.pipeline_mode<synchronous>, transform_indices = @transform_8, window_bounds = array<i64: 24, 256>}, {pipeline_mode = #tpu.pipeline_mode<synchronous>, transform_indices = @transform_9, window_bounds = array<i64: 24, 1>}, {pipeline_mode = #tpu.pipeline_mode<synchronous>, transform_indices = @transform_10, window_bounds = array<i64: 1, 100>}, {transform_indices = @transform_11, window_bounds = array<i64: 3, 8, 100>}]} {
    %eq3A = arith.constant 0 : i32
    %eq3A_0 = arith.cmpi eq, %arg0, %eq3A : i32
    %convert_element_type3A = arith.extui %eq3A_0 : i1 to i32
    %cond3A = arith.constant 0 : i32
    %cond3A_1 = arith.cmpi ne, %convert_element_type3A, %cond3A : i32
    scf.if %cond3A_1 {
      %get3A_412 = arith.constant 0 : index
      %get3A_413 = arith.constant 0 : index
      %get3A_414 = vector.load %arg11[%get3A_412, %get3A_413] : memref<1x100xf32, #tpu.memory_space<vmem>>, vector<1x100xf32>
      %jit3A = arith.constant -1.200000e+01 : f32
      %jit3A_415 = arith.constant 1.200000e+01 : f32
      %max3A_416 = vector.broadcast %jit3A : f32 to vector<1x100xf32>
      %max3A_417 = arith.maximumf %max3A_416, %get3A_414 : vector<1x100xf32>
      %min3A_418 = vector.broadcast %jit3A_415 : f32 to vector<1x100xf32>
      %min3A_419 = arith.minimumf %min3A_418, %max3A_417 : vector<1x100xf32>
      %neg3A_420 = arith.constant 0.000000e+00 : f32
      %neg3A_421 = vector.broadcast %neg3A_420 : f32 to vector<1x100xf32>
      %neg3A_422 = arith.subf %neg3A_421, %min3A_419 : vector<1x100xf32>
      %exp3A = math.exp %neg3A_422 : vector<1x100xf32>
      %swap3A_423 = arith.constant 0 : index
      %swap3A_424 = arith.constant 0 : index
      %swap3A_425 = vector.load %arg17[%swap3A_423, %swap3A_424] : memref<1x100xf32, #tpu.memory_space<vmem>>, vector<1x100xf32>
      tpu.vector_store %arg17[%swap3A_423, %swap3A_424], %exp3A {strides = array<i32>} : memref<1x100xf32, #tpu.memory_space<vmem>>, vector<1x100xf32>,
      %iota3A = tpu.iota {dimensions = array<i32: 1>} : vector<4950x100xi32>
      %get3A_426 = arith.constant 0 : index
      %get3A_427 = arith.constant 0 : index
      %get3A_428 = vector.load %arg4[%get3A_426, %get3A_427] : memref<4950x1xi32, #tpu.memory_space<vmem>>, vector<4950x1xi32>
      %eq3A_429 = vector.broadcast %get3A_428 : vector<4950x1xi32> to vector<4950x100xi32>
      %eq3A_430 = arith.cmpi eq, %eq3A_429, %iota3A : vector<4950x100xi32>
      %convert_element_type3A_431 = arith.extui %eq3A_430 : vector<4950x100xi1> to vector<4950x100xi32>
      %convert_element_type3A_432 = arith.sitofp %convert_element_type3A_431 : vector<4950x100xi32> to vector<4950x100xf32>
      %get3A_433 = arith.constant 0 : index
      %get3A_434 = arith.constant 0 : index
      %get3A_435 = vector.load %arg5[%get3A_433, %get3A_434] : memref<4950x1xi32, #tpu.memory_space<vmem>>, vector<4950x1xi32>
      %eq3A_436 = vector.broadcast %get3A_435 : vector<4950x1xi32> to vector<4950x100xi32>
      %eq3A_437 = arith.cmpi eq, %eq3A_436, %iota3A : vector<4950x100xi32>
      %convert_element_type3A_438 = arith.extui %eq3A_437 : vector<4950x100xi1> to vector<4950x100xi32>
      %convert_element_type3A_439 = arith.sitofp %convert_element_type3A_438 : vector<4950x100xi32> to vector<4950x100xf32>
      %sub3A_440 = arith.subf %convert_element_type3A_432, %convert_element_type3A_439 : vector<4950x100xf32>
      %swap3A_441 = arith.constant 0 : index
      %swap3A_442 = arith.constant 0 : index
      %swap3A_443 = vector.load %arg13[%swap3A_441, %swap3A_442] : memref<4950x100xf32, #tpu.memory_space<vmem>>, vector<4950x100xf32>
      tpu.vector_store %arg13[%swap3A_441, %swap3A_442], %sub3A_440 {strides = array<i32>} : memref<4950x100xf32, #tpu.memory_space<vmem>>, vector<4950x100xf32>,
      %iota3A_444 = tpu.iota {dimensions = array<i32: 0>} : vector<100x4950xi32>
      %get3A_445 = arith.constant 0 : index
      %get3A_446 = arith.constant 0 : index
      %get3A_447 = vector.load %arg2[%get3A_445, %get3A_446] : memref<1x4950xi32, #tpu.memory_space<vmem>>, vector<1x4950xi32>
      %eq3A_448 = vector.broadcast %get3A_447 : vector<1x4950xi32> to vector<100x4950xi32>
      %eq3A_449 = arith.cmpi eq, %eq3A_448, %iota3A_444 : vector<100x4950xi32>
      %convert_element_type3A_450 = arith.extui %eq3A_449 : vector<100x4950xi1> to vector<100x4950xi32>
      %convert_element_type3A_451 = arith.sitofp %convert_element_type3A_450 : vector<100x4950xi32> to vector<100x4950xf32>
      %get3A_452 = arith.constant 0 : index
      %get3A_453 = arith.constant 0 : index
      %get3A_454 = vector.load %arg3[%get3A_452, %get3A_453] : memref<1x4950xi32, #tpu.memory_space<vmem>>, vector<1x4950xi32>
      %eq3A_455 = vector.broadcast %get3A_454 : vector<1x4950xi32> to vector<100x4950xi32>
      %eq3A_456 = arith.cmpi eq, %eq3A_455, %iota3A_444 : vector<100x4950xi32>
      %convert_element_type3A_457 = arith.extui %eq3A_456 : vector<100x4950xi1> to vector<100x4950xi32>
      %convert_element_type3A_458 = arith.sitofp %convert_element_type3A_457 : vector<100x4950xi32> to vector<100x4950xf32>
      %dot_general3A_459 = arith.constant dense<0.000000e+00> : vector<1x4950xf32>
      %dot_general3A_460 = tpu.matmul %min3A_419, %convert_element_type3A_451, %dot_general3A_459 {dimension_numbers = #tpu.dot_dimension_numbers<[1], [0], [0], [1], [0, 0, 1, 1], [], []>, transpose_lhs_hint = false} : vector<1x100xf32>, vector<100x4950xf32>, vector<1x4950xf32> -> vector<1x4950xf32>
      %dot_general3A_461 = arith.constant dense<0.000000e+00> : vector<1x4950xf32>
      %dot_general3A_462 = tpu.matmul %min3A_419, %convert_element_type3A_458, %dot_general3A_461 {dimension_numbers = #tpu.dot_dimension_numbers<[1], [0], [0], [1], [0, 0, 1, 1], [], []>, transpose_lhs_hint = false} : vector<1x100xf32>, vector<100x4950xf32>, vector<1x4950xf32> -> vector<1x4950xf32>
      %swap3A_463 = arith.constant 24 : index
      %swap3A_464 = arith.constant 0 : index
      %swap3A_465 = vector.load %arg14[%swap3A_463, %swap3A_464] : memref<27x4950xf32, #tpu.memory_space<vmem>>, vector<1x4950xf32>
      tpu.vector_store %arg14[%swap3A_463, %swap3A_464], %dot_general3A_460 {strides = array<i32>} : memref<27x4950xf32, #tpu.memory_space<vmem>>, vector<1x4950xf32>,
      %swap3A_466 = arith.constant 25 : index
      %swap3A_467 = arith.constant 0 : index
      %swap3A_468 = vector.load %arg14[%swap3A_466, %swap3A_467] : memref<27x4950xf32, #tpu.memory_space<vmem>>, vector<1x4950xf32>
      tpu.vector_store %arg14[%swap3A_466, %swap3A_467], %dot_general3A_462 {strides = array<i32>} : memref<27x4950xf32, #tpu.memory_space<vmem>>, vector<1x4950xf32>,
      %broadcast_in_dim3A = arith.constant 1.000000e+00 : f32
      %broadcast_in_dim3A_469 = vector.broadcast %broadcast_in_dim3A : f32 to vector<1x4950xf32>
      %swap3A_470 = arith.constant 26 : index
      %swap3A_471 = arith.constant 0 : index
      %swap3A_472 = vector.load %arg14[%swap3A_470, %swap3A_471] : memref<27x4950xf32, #tpu.memory_space<vmem>>, vector<1x4950xf32>
      tpu.vector_store %arg14[%swap3A_470, %swap3A_471], %broadcast_in_dim3A_469 {strides = array<i32>} : memref<27x4950xf32, #tpu.memory_space<vmem>>, vector<1x4950xf32>,
    } else {
    }
    %get3A = arith.constant 0 : index
    %get3A_2 = arith.constant 0 : index
    %get3A_3 = arith.constant 0 : index
    %get3A_4 = vector.load %arg1[%get3A, %get3A_2, %get3A_3] : memref<3x8x4950xf32, #tpu.memory_space<vmem>>, vector<1x8x4950xf32>
    %get3A_5 = vector.shape_cast %get3A_4 : vector<1x8x4950xf32> to vector<8x4950xf32>
    %get3A_6 = arith.constant 1 : index
    %get3A_7 = arith.constant 0 : index
    %get3A_8 = arith.constant 0 : index
    %get3A_9 = vector.load %arg1[%get3A_6, %get3A_7, %get3A_8] : memref<3x8x4950xf32, #tpu.memory_space<vmem>>, vector<1x8x4950xf32>
    %get3A_10 = vector.shape_cast %get3A_9 : vector<1x8x4950xf32> to vector<8x4950xf32>
    %get3A_11 = arith.constant 2 : index
    %get3A_12 = arith.constant 0 : index
    %get3A_13 = arith.constant 0 : index
    %get3A_14 = vector.load %arg1[%get3A_11, %get3A_12, %get3A_13] : memref<3x8x4950xf32, #tpu.memory_space<vmem>>, vector<1x8x4950xf32>
    %get3A_15 = vector.shape_cast %get3A_14 : vector<1x8x4950xf32> to vector<8x4950xf32>
    %mul3A = arith.mulf %get3A_5, %get3A_5 : vector<8x4950xf32>
    %mul3A_16 = arith.mulf %get3A_10, %get3A_10 : vector<8x4950xf32>
    %add3A = arith.addf %mul3A, %mul3A_16 : vector<8x4950xf32>
    %mul3A_17 = arith.mulf %get3A_15, %get3A_15 : vector<8x4950xf32>
    %add3A_18 = arith.addf %add3A, %mul3A_17 : vector<8x4950xf32>
    %sqrt3A = math.sqrt %add3A_18 : vector<8x4950xf32>
    %add3A_19 = arith.constant 9.99999996E-13 : f32
    %add3A_20 = vector.broadcast %add3A_19 : f32 to vector<8x4950xf32>
    %add3A_21 = arith.addf %sqrt3A, %add3A_20 : vector<8x4950xf32>
    %sqrt3A_22 = math.sqrt %add3A : vector<8x4950xf32>
    %abs3A = math.absf %get3A_15 : vector<8x4950xf32>
    %abs3A_23 = math.absf %sqrt3A_22 : vector<8x4950xf32>
    %max3A = arith.maximumf %abs3A, %abs3A_23 : vector<8x4950xf32>
    %min3A = arith.minimumf %abs3A, %abs3A_23 : vector<8x4950xf32>
    %max3A_24 = arith.constant 1.000000e-30 : f32
    %max3A_25 = vector.broadcast %max3A_24 : f32 to vector<8x4950xf32>
    %max3A_26 = arith.maximumf %max3A, %max3A_25 : vector<8x4950xf32>
    %div3A = arith.divf %min3A, %max3A_26 : vector<8x4950xf32>
    %mul3A_27 = arith.mulf %div3A, %div3A : vector<8x4950xf32>
    %mul3A_28 = arith.constant -0.0134804696 : f32
    %mul3A_29 = vector.broadcast %mul3A_28 : f32 to vector<8x4950xf32>
    %mul3A_30 = arith.mulf %mul3A_29, %mul3A_27 : vector<8x4950xf32>
    %add3A_31 = arith.constant 0.057477314 : f32
    %add3A_32 = vector.broadcast %add3A_31 : f32 to vector<8x4950xf32>
    %add3A_33 = arith.addf %mul3A_30, %add3A_32 : vector<8x4950xf32>
    %mul3A_34 = arith.mulf %add3A_33, %mul3A_27 : vector<8x4950xf32>
    %sub3A = arith.constant 0.121239074 : f32
    %sub3A_35 = vector.broadcast %sub3A : f32 to vector<8x4950xf32>
    %sub3A_36 = arith.subf %mul3A_34, %sub3A_35 : vector<8x4950xf32>
    %mul3A_37 = arith.mulf %sub3A_36, %mul3A_27 : vector<8x4950xf32>
    %add3A_38 = arith.constant 0.19563593 : f32
    %add3A_39 = vector.broadcast %add3A_38 : f32 to vector<8x4950xf32>
    %add3A_40 = arith.addf %mul3A_37, %add3A_39 : vector<8x4950xf32>
    %mul3A_41 = arith.mulf %add3A_40, %mul3A_27 : vector<8x4950xf32>
    %sub3A_42 = arith.constant 0.33299461 : f32
    %sub3A_43 = vector.broadcast %sub3A_42 : f32 to vector<8x4950xf32>
    %sub3A_44 = arith.subf %mul3A_41, %sub3A_43 : vector<8x4950xf32>
    %mul3A_45 = arith.mulf %sub3A_44, %mul3A_27 : vector<8x4950xf32>
    %add3A_46 = arith.constant 0.999995648 : f32
    %add3A_47 = vector.broadcast %add3A_46 : f32 to vector<8x4950xf32>
    %add3A_48 = arith.addf %mul3A_45, %add3A_47 : vector<8x4950xf32>
    %mul3A_49 = arith.mulf %div3A, %add3A_48 : vector<8x4950xf32>
    %gt3A = arith.cmpf ogt, %abs3A_23, %abs3A : vector<8x4950xf32>
    %sub3A_50 = arith.constant 1.57079637 : f32
    %sub3A_51 = vector.broadcast %sub3A_50 : f32 to vector<8x4950xf32>
    %sub3A_52 = arith.subf %sub3A_51, %mul3A_49 : vector<8x4950xf32>
    %select_n3A = arith.select %gt3A, %sub3A_52, %mul3A_49 : vector<8x4950xi1>, vector<8x4950xf32>
    %lt3A = arith.constant 0.000000e+00 : f32
    %lt3A_53 = vector.broadcast %lt3A : f32 to vector<8x4950xf32>
    %lt3A_54 = arith.cmpf olt, %get3A_15, %lt3A_53 : vector<8x4950xf32>
    %sub3A_55 = arith.constant 3.14159274 : f32
    %sub3A_56 = vector.broadcast %sub3A_55 : f32 to vector<8x4950xf32>
    %sub3A_57 = arith.subf %sub3A_56, %select_n3A : vector<8x4950xf32>
    %select_n3A_58 = arith.select %lt3A_54, %sub3A_57, %select_n3A : vector<8x4950xi1>, vector<8x4950xf32>
    %lt3A_59 = arith.constant 0.000000e+00 : f32
    %lt3A_60 = vector.broadcast %lt3A_59 : f32 to vector<8x4950xf32>
    %lt3A_61 = arith.cmpf olt, %sqrt3A_22, %lt3A_60 : vector<8x4950xf32>
    %neg3A = arith.constant 0.000000e+00 : f32
    %neg3A_62 = vector.broadcast %neg3A : f32 to vector<8x4950xf32>
    %neg3A_63 = arith.subf %neg3A_62, %select_n3A_58 : vector<8x4950xf32>
    %select_n3A_64 = arith.select %lt3A_61, %neg3A_63, %select_n3A_58 : vector<8x4950xi1>, vector<8x4950xf32>
    %abs3A_65 = math.absf %get3A_5 : vector<8x4950xf32>
    %abs3A_66 = math.absf %get3A_10 : vector<8x4950xf32>
    %max3A_67 = arith.maximumf %abs3A_65, %abs3A_66 : vector<8x4950xf32>
    %min3A_68 = arith.minimumf %abs3A_65, %abs3A_66 : vector<8x4950xf32>
    %max3A_69 = arith.constant 1.000000e-30 : f32
    %max3A_70 = vector.broadcast %max3A_69 : f32 to vector<8x4950xf32>
    %max3A_71 = arith.maximumf %max3A_67, %max3A_70 : vector<8x4950xf32>
    %div3A_72 = arith.divf %min3A_68, %max3A_71 : vector<8x4950xf32>
    %mul3A_73 = arith.mulf %div3A_72, %div3A_72 : vector<8x4950xf32>
    %mul3A_74 = arith.constant -0.0134804696 : f32
    %mul3A_75 = vector.broadcast %mul3A_74 : f32 to vector<8x4950xf32>
    %mul3A_76 = arith.mulf %mul3A_75, %mul3A_73 : vector<8x4950xf32>
    %add3A_77 = arith.constant 0.057477314 : f32
    %add3A_78 = vector.broadcast %add3A_77 : f32 to vector<8x4950xf32>
    %add3A_79 = arith.addf %mul3A_76, %add3A_78 : vector<8x4950xf32>
    %mul3A_80 = arith.mulf %add3A_79, %mul3A_73 : vector<8x4950xf32>
    %sub3A_81 = arith.constant 0.121239074 : f32
    %sub3A_82 = vector.broadcast %sub3A_81 : f32 to vector<8x4950xf32>
    %sub3A_83 = arith.subf %mul3A_80, %sub3A_82 : vector<8x4950xf32>
    %mul3A_84 = arith.mulf %sub3A_83, %mul3A_73 : vector<8x4950xf32>
    %add3A_85 = arith.constant 0.19563593 : f32
    %add3A_86 = vector.broadcast %add3A_85 : f32 to vector<8x4950xf32>
    %add3A_87 = arith.addf %mul3A_84, %add3A_86 : vector<8x4950xf32>
    %mul3A_88 = arith.mulf %add3A_87, %mul3A_73 : vector<8x4950xf32>
    %sub3A_89 = arith.constant 0.33299461 : f32
    %sub3A_90 = vector.broadcast %sub3A_89 : f32 to vector<8x4950xf32>
    %sub3A_91 = arith.subf %mul3A_88, %sub3A_90 : vector<8x4950xf32>
    %mul3A_92 = arith.mulf %sub3A_91, %mul3A_73 : vector<8x4950xf32>
    %add3A_93 = arith.constant 0.999995648 : f32
    %add3A_94 = vector.broadcast %add3A_93 : f32 to vector<8x4950xf32>
    %add3A_95 = arith.addf %mul3A_92, %add3A_94 : vector<8x4950xf32>
    %mul3A_96 = arith.mulf %div3A_72, %add3A_95 : vector<8x4950xf32>
    %gt3A_97 = arith.cmpf ogt, %abs3A_66, %abs3A_65 : vector<8x4950xf32>
    %sub3A_98 = arith.constant 1.57079637 : f32
    %sub3A_99 = vector.broadcast %sub3A_98 : f32 to vector<8x4950xf32>
    %sub3A_100 = arith.subf %sub3A_99, %mul3A_96 : vector<8x4950xf32>
    %select_n3A_101 = arith.select %gt3A_97, %sub3A_100, %mul3A_96 : vector<8x4950xi1>, vector<8x4950xf32>
    %lt3A_102 = arith.constant 0.000000e+00 : f32
    %lt3A_103 = vector.broadcast %lt3A_102 : f32 to vector<8x4950xf32>
    %lt3A_104 = arith.cmpf olt, %get3A_5, %lt3A_103 : vector<8x4950xf32>
    %sub3A_105 = arith.constant 3.14159274 : f32
    %sub3A_106 = vector.broadcast %sub3A_105 : f32 to vector<8x4950xf32>
    %sub3A_107 = arith.subf %sub3A_106, %select_n3A_101 : vector<8x4950xf32>
    %select_n3A_108 = arith.select %lt3A_104, %sub3A_107, %select_n3A_101 : vector<8x4950xi1>, vector<8x4950xf32>
    %lt3A_109 = arith.constant 0.000000e+00 : f32
    %lt3A_110 = vector.broadcast %lt3A_109 : f32 to vector<8x4950xf32>
    %lt3A_111 = arith.cmpf olt, %get3A_10, %lt3A_110 : vector<8x4950xf32>
    %neg3A_112 = arith.constant 0.000000e+00 : f32
    %neg3A_113 = vector.broadcast %neg3A_112 : f32 to vector<8x4950xf32>
    %neg3A_114 = arith.subf %neg3A_113, %select_n3A_108 : vector<8x4950xf32>
    %select_n3A_115 = arith.select %lt3A_111, %neg3A_114, %select_n3A_108 : vector<8x4950xi1>, vector<8x4950xf32>
    %swap3A = arith.constant 0 : index
    %swap3A_116 = arith.constant 0 : index
    %swap3A_117 = vector.load %arg14[%swap3A, %swap3A_116] : memref<27x4950xf32, #tpu.memory_space<vmem>>, vector<8x4950xf32>
    tpu.vector_store %arg14[%swap3A, %swap3A_116], %add3A_21 {strides = array<i32>} : memref<27x4950xf32, #tpu.memory_space<vmem>>, vector<8x4950xf32>,
    %swap3A_118 = arith.constant 8 : index
    %swap3A_119 = arith.constant 0 : index
    %swap3A_120 = vector.load %arg14[%swap3A_118, %swap3A_119] : memref<27x4950xf32, #tpu.memory_space<vmem>>, vector<8x4950xf32>
    tpu.vector_store %arg14[%swap3A_118, %swap3A_119], %select_n3A_64 {strides = array<i32>} : memref<27x4950xf32, #tpu.memory_space<vmem>>, vector<8x4950xf32>,
    %swap3A_121 = arith.constant 16 : index
    %swap3A_122 = arith.constant 0 : index
    %swap3A_123 = vector.load %arg14[%swap3A_121, %swap3A_122] : memref<27x4950xf32, #tpu.memory_space<vmem>>, vector<8x4950xf32>
    tpu.vector_store %arg14[%swap3A_121, %swap3A_122], %select_n3A_115 {strides = array<i32>} : memref<27x4950xf32, #tpu.memory_space<vmem>>, vector<8x4950xf32>,
    %get3A_124 = arith.constant 0 : index
    %get3A_125 = arith.constant 0 : index
    %get3A_126 = vector.load %arg6[%get3A_124, %get3A_125] : memref<256x27xf32, #tpu.memory_space<vmem>>, vector<256x27xf32>
    %get3A_127 = arith.constant 0 : index
    %get3A_128 = arith.constant 0 : index
    %get3A_129 = vector.load %arg14[%get3A_127, %get3A_128] : memref<27x4950xf32, #tpu.memory_space<vmem>>, vector<27x4950xf32>
    %dot_general3A = arith.constant dense<0.000000e+00> : vector<256x4950xf32>
    %dot_general3A_130 = tpu.matmul %get3A_126, %get3A_129, %dot_general3A {dimension_numbers = #tpu.dot_dimension_numbers<[1], [0], [0], [1], [0, 0, 1, 1], [], []>, transpose_lhs_hint = false} : vector<256x27xf32>, vector<27x4950xf32>, vector<256x4950xf32> -> vector<256x4950xf32>
    %tanh3A = math.tanh %dot_general3A_130 : vector<256x4950xf32>
    %get3A_131 = arith.constant 0 : index
    %get3A_132 = arith.constant 0 : index
    %get3A_133 = vector.load %arg8[%get3A_131, %get3A_132] : memref<32x1xf32, #tpu.memory_space<vmem>>, vector<32x1xf32>
    %get3A_134 = arith.constant 0 : index
    %get3A_135 = arith.constant 0 : index
    %get3A_136 = vector.load %arg7[%get3A_134, %get3A_135] : memref<32x32xf32, #tpu.memory_space<vmem>>, vector<32x32xf32>
    %slice3A = vector.extract_strided_slice %tanh3A {offsets = [0, 0], sizes = [32, 4950], strides = [1, 1]} : vector<256x4950xf32> to vector<32x4950xf32>
    %dot_general3A_137 = arith.constant dense<0.000000e+00> : vector<32x4950xf32>
    %dot_general3A_138 = tpu.matmul %get3A_136, %slice3A, %dot_general3A_137 {dimension_numbers = #tpu.dot_dimension_numbers<[1], [0], [0], [1], [0, 0, 1, 1], [], []>, transpose_lhs_hint = false} : vector<32x32xf32>, vector<32x4950xf32>, vector<32x4950xf32> -> vector<32x4950xf32>
    %add3A_139 = vector.broadcast %get3A_133 : vector<32x1xf32> to vector<32x4950xf32>
    %add3A_140 = arith.addf %dot_general3A_138, %add3A_139 : vector<32x4950xf32>
    %tanh3A_141 = math.tanh %add3A_140 : vector<32x4950xf32>
    %swap3A_142 = arith.constant 0 : index
    %swap3A_143 = arith.constant 0 : index
    %swap3A_144 = vector.load %arg15[%swap3A_142, %swap3A_143] : memref<256x4950xf32, #tpu.memory_space<vmem>>, vector<32x4950xf32>
    tpu.vector_store %arg15[%swap3A_142, %swap3A_143], %tanh3A_141 {strides = array<i32>} : memref<256x4950xf32, #tpu.memory_space<vmem>>, vector<32x4950xf32>,
    %slice3A_145 = vector.extract_strided_slice %tanh3A {offsets = [32, 0], sizes = [32, 4950], strides = [1, 1]} : vector<256x4950xf32> to vector<32x4950xf32>
    %dot_general3A_146 = arith.constant dense<0.000000e+00> : vector<32x4950xf32>
    %dot_general3A_147 = tpu.matmul %get3A_136, %slice3A_145, %dot_general3A_146 {dimension_numbers = #tpu.dot_dimension_numbers<[1], [0], [0], [1], [0, 0, 1, 1], [], []>, transpose_lhs_hint = false} : vector<32x32xf32>, vector<32x4950xf32>, vector<32x4950xf32> -> vector<32x4950xf32>
    %add3A_148 = vector.broadcast %get3A_133 : vector<32x1xf32> to vector<32x4950xf32>
    %add3A_149 = arith.addf %dot_general3A_147, %add3A_148 : vector<32x4950xf32>
    %tanh3A_150 = math.tanh %add3A_149 : vector<32x4950xf32>
    %swap3A_151 = arith.constant 32 : index
    %swap3A_152 = arith.constant 0 : index
    %swap3A_153 = vector.load %arg15[%swap3A_151, %swap3A_152] : memref<256x4950xf32, #tpu.memory_space<vmem>>, vector<32x4950xf32>
    tpu.vector_store %arg15[%swap3A_151, %swap3A_152], %tanh3A_150 {strides = array<i32>} : memref<256x4950xf32, #tpu.memory_space<vmem>>, vector<32x4950xf32>,
    %slice3A_154 = vector.extract_strided_slice %tanh3A {offsets = [64, 0], sizes = [32, 4950], strides = [1, 1]} : vector<256x4950xf32> to vector<32x4950xf32>
    %dot_general3A_155 = arith.constant dense<0.000000e+00> : vector<32x4950xf32>
    %dot_general3A_156 = tpu.matmul %get3A_136, %slice3A_154, %dot_general3A_155 {dimension_numbers = #tpu.dot_dimension_numbers<[1], [0], [0], [1], [0, 0, 1, 1], [], []>, transpose_lhs_hint = false} : vector<32x32xf32>, vector<32x4950xf32>, vector<32x4950xf32> -> vector<32x4950xf32>
    %add3A_157 = vector.broadcast %get3A_133 : vector<32x1xf32> to vector<32x4950xf32>
    %add3A_158 = arith.addf %dot_general3A_156, %add3A_157 : vector<32x4950xf32>
    %tanh3A_159 = math.tanh %add3A_158 : vector<32x4950xf32>
    %swap3A_160 = arith.constant 64 : index
    %swap3A_161 = arith.constant 0 : index
    %swap3A_162 = vector.load %arg15[%swap3A_160, %swap3A_161] : memref<256x4950xf32, #tpu.memory_space<vmem>>, vector<32x4950xf32>
    tpu.vector_store %arg15[%swap3A_160, %swap3A_161], %tanh3A_159 {strides = array<i32>} : memref<256x4950xf32, #tpu.memory_space<vmem>>, vector<32x4950xf32>,
    %slice3A_163 = vector.extract_strided_slice %tanh3A {offsets = [96, 0], sizes = [32, 4950], strides = [1, 1]} : vector<256x4950xf32> to vector<32x4950xf32>
    %dot_general3A_164 = arith.constant dense<0.000000e+00> : vector<32x4950xf32>
    %dot_general3A_165 = tpu.matmul %get3A_136, %slice3A_163, %dot_general3A_164 {dimension_numbers = #tpu.dot_dimension_numbers<[1], [0], [0], [1], [0, 0, 1, 1], [], []>, transpose_lhs_hint = false} : vector<32x32xf32>, vector<32x4950xf32>, vector<32x4950xf32> -> vector<32x4950xf32>
    %add3A_166 = vector.broadcast %get3A_133 : vector<32x1xf32> to vector<32x4950xf32>
    %add3A_167 = arith.addf %dot_general3A_165, %add3A_166 : vector<32x4950xf32>
    %tanh3A_168 = math.tanh %add3A_167 : vector<32x4950xf32>
    %swap3A_169 = arith.constant 96 : index
    %swap3A_170 = arith.constant 0 : index
    %swap3A_171 = vector.load %arg15[%swap3A_169, %swap3A_170] : memref<256x4950xf32, #tpu.memory_space<vmem>>, vector<32x4950xf32>
    tpu.vector_store %arg15[%swap3A_169, %swap3A_170], %tanh3A_168 {strides = array<i32>} : memref<256x4950xf32, #tpu.memory_space<vmem>>, vector<32x4950xf32>,
    %slice3A_172 = vector.extract_strided_slice %tanh3A {offsets = [128, 0], sizes = [32, 4950], strides = [1, 1]} : vector<256x4950xf32> to vector<32x4950xf32>
    %dot_general3A_173 = arith.constant dense<0.000000e+00> : vector<32x4950xf32>
    %dot_general3A_174 = tpu.matmul %get3A_136, %slice3A_172, %dot_general3A_173 {dimension_numbers = #tpu.dot_dimension_numbers<[1], [0], [0], [1], [0, 0, 1, 1], [], []>, transpose_lhs_hint = false} : vector<32x32xf32>, vector<32x4950xf32>, vector<32x4950xf32> -> vector<32x4950xf32>
    %add3A_175 = vector.broadcast %get3A_133 : vector<32x1xf32> to vector<32x4950xf32>
    %add3A_176 = arith.addf %dot_general3A_174, %add3A_175 : vector<32x4950xf32>
    %tanh3A_177 = math.tanh %add3A_176 : vector<32x4950xf32>
    %swap3A_178 = arith.constant 128 : index
    %swap3A_179 = arith.constant 0 : index
    %swap3A_180 = vector.load %arg15[%swap3A_178, %swap3A_179] : memref<256x4950xf32, #tpu.memory_space<vmem>>, vector<32x4950xf32>
    tpu.vector_store %arg15[%swap3A_178, %swap3A_179], %tanh3A_177 {strides = array<i32>} : memref<256x4950xf32, #tpu.memory_space<vmem>>, vector<32x4950xf32>,
    %slice3A_181 = vector.extract_strided_slice %tanh3A {offsets = [160, 0], sizes = [32, 4950], strides = [1, 1]} : vector<256x4950xf32> to vector<32x4950xf32>
    %dot_general3A_182 = arith.constant dense<0.000000e+00> : vector<32x4950xf32>
    %dot_general3A_183 = tpu.matmul %get3A_136, %slice3A_181, %dot_general3A_182 {dimension_numbers = #tpu.dot_dimension_numbers<[1], [0], [0], [1], [0, 0, 1, 1], [], []>, transpose_lhs_hint = false} : vector<32x32xf32>, vector<32x4950xf32>, vector<32x4950xf32> -> vector<32x4950xf32>
    %add3A_184 = vector.broadcast %get3A_133 : vector<32x1xf32> to vector<32x4950xf32>
    %add3A_185 = arith.addf %dot_general3A_183, %add3A_184 : vector<32x4950xf32>
    %tanh3A_186 = math.tanh %add3A_185 : vector<32x4950xf32>
    %swap3A_187 = arith.constant 160 : index
    %swap3A_188 = arith.constant 0 : index
    %swap3A_189 = vector.load %arg15[%swap3A_187, %swap3A_188] : memref<256x4950xf32, #tpu.memory_space<vmem>>, vector<32x4950xf32>
    tpu.vector_store %arg15[%swap3A_187, %swap3A_188], %tanh3A_186 {strides = array<i32>} : memref<256x4950xf32, #tpu.memory_space<vmem>>, vector<32x4950xf32>,
    %slice3A_190 = vector.extract_strided_slice %tanh3A {offsets = [192, 0], sizes = [32, 4950], strides = [1, 1]} : vector<256x4950xf32> to vector<32x4950xf32>
    %dot_general3A_191 = arith.constant dense<0.000000e+00> : vector<32x4950xf32>
    %dot_general3A_192 = tpu.matmul %get3A_136, %slice3A_190, %dot_general3A_191 {dimension_numbers = #tpu.dot_dimension_numbers<[1], [0], [0], [1], [0, 0, 1, 1], [], []>, transpose_lhs_hint = false} : vector<32x32xf32>, vector<32x4950xf32>, vector<32x4950xf32> -> vector<32x4950xf32>
    %add3A_193 = vector.broadcast %get3A_133 : vector<32x1xf32> to vector<32x4950xf32>
    %add3A_194 = arith.addf %dot_general3A_192, %add3A_193 : vector<32x4950xf32>
    %tanh3A_195 = math.tanh %add3A_194 : vector<32x4950xf32>
    %swap3A_196 = arith.constant 192 : index
    %swap3A_197 = arith.constant 0 : index
    %swap3A_198 = vector.load %arg15[%swap3A_196, %swap3A_197] : memref<256x4950xf32, #tpu.memory_space<vmem>>, vector<32x4950xf32>
    tpu.vector_store %arg15[%swap3A_196, %swap3A_197], %tanh3A_195 {strides = array<i32>} : memref<256x4950xf32, #tpu.memory_space<vmem>>, vector<32x4950xf32>,
    %slice3A_199 = vector.extract_strided_slice %tanh3A {offsets = [224, 0], sizes = [32, 4950], strides = [1, 1]} : vector<256x4950xf32> to vector<32x4950xf32>
    %dot_general3A_200 = arith.constant dense<0.000000e+00> : vector<32x4950xf32>
    %dot_general3A_201 = tpu.matmul %get3A_136, %slice3A_199, %dot_general3A_200 {dimension_numbers = #tpu.dot_dimension_numbers<[1], [0], [0], [1], [0, 0, 1, 1], [], []>, transpose_lhs_hint = false} : vector<32x32xf32>, vector<32x4950xf32>, vector<32x4950xf32> -> vector<32x4950xf32>
    %add3A_202 = vector.broadcast %get3A_133 : vector<32x1xf32> to vector<32x4950xf32>
    %add3A_203 = arith.addf %dot_general3A_201, %add3A_202 : vector<32x4950xf32>
    %tanh3A_204 = math.tanh %add3A_203 : vector<32x4950xf32>
    %swap3A_205 = arith.constant 224 : index
    %swap3A_206 = arith.constant 0 : index
    %swap3A_207 = vector.load %arg15[%swap3A_205, %swap3A_206] : memref<256x4950xf32, #tpu.memory_space<vmem>>, vector<32x4950xf32>
    tpu.vector_store %arg15[%swap3A_205, %swap3A_206], %tanh3A_204 {strides = array<i32>} : memref<256x4950xf32, #tpu.memory_space<vmem>>, vector<32x4950xf32>,
    %get3A_208 = arith.constant 0 : index
    %get3A_209 = arith.constant 0 : index
    %get3A_210 = vector.load %arg9[%get3A_208, %get3A_209] : memref<24x256xf32, #tpu.memory_space<vmem>>, vector<24x256xf32>
    %get3A_211 = arith.constant 0 : index
    %get3A_212 = arith.constant 0 : index
    %get3A_213 = vector.load %arg15[%get3A_211, %get3A_212] : memref<256x4950xf32, #tpu.memory_space<vmem>>, vector<256x4950xf32>
    %dot_general3A_214 = arith.constant dense<0.000000e+00> : vector<24x4950xf32>
    %dot_general3A_215 = tpu.matmul %get3A_210, %get3A_213, %dot_general3A_214 {dimension_numbers = #tpu.dot_dimension_numbers<[1], [0], [0], [1], [0, 0, 1, 1], [], []>, transpose_lhs_hint = false} : vector<24x256xf32>, vector<256x4950xf32>, vector<24x4950xf32> -> vector<24x4950xf32>
    %get3A_216 = arith.constant 0 : index
    %get3A_217 = arith.constant 0 : index
    %get3A_218 = vector.load %arg10[%get3A_216, %get3A_217] : memref<24x1xf32, #tpu.memory_space<vmem>>, vector<24x1xf32>
    %add3A_219 = vector.broadcast %get3A_218 : vector<24x1xf32> to vector<24x4950xf32>
    %add3A_220 = arith.addf %dot_general3A_215, %add3A_219 : vector<24x4950xf32>
    %slice3A_221 = vector.extract_strided_slice %add3A_220 {offsets = [0, 0], sizes = [8, 4950], strides = [1, 1]} : vector<24x4950xf32> to vector<8x4950xf32>
    %slice3A_222 = vector.extract_strided_slice %add3A_220 {offsets = [8, 0], sizes = [8, 4950], strides = [1, 1]} : vector<24x4950xf32> to vector<8x4950xf32>
    %slice3A_223 = vector.extract_strided_slice %add3A_220 {offsets = [16, 0], sizes = [8, 4950], strides = [1, 1]} : vector<24x4950xf32> to vector<8x4950xf32>
    %mul3A_224 = arith.constant 0.318309873 : f32
    %mul3A_225 = vector.broadcast %mul3A_224 : f32 to vector<8x4950xf32>
    %mul3A_226 = arith.mulf %slice3A_222, %mul3A_225 : vector<8x4950xf32>
    %round3A = math.roundeven %mul3A_226 : vector<8x4950xf32>
    %mul3A_227 = arith.constant 3.14159274 : f32
    %mul3A_228 = vector.broadcast %mul3A_227 : f32 to vector<8x4950xf32>
    %mul3A_229 = arith.mulf %round3A, %mul3A_228 : vector<8x4950xf32>
    %sub3A_230 = arith.subf %slice3A_222, %mul3A_229 : vector<8x4950xf32>
    %mul3A_231 = arith.constant 5.000000e-01 : f32
    %mul3A_232 = vector.broadcast %mul3A_231 : f32 to vector<8x4950xf32>
    %mul3A_233 = arith.mulf %round3A, %mul3A_232 : vector<8x4950xf32>
    %round3A_234 = math.roundeven %mul3A_233 : vector<8x4950xf32>
    %mul3A_235 = arith.constant 2.000000e+00 : f32
    %mul3A_236 = vector.broadcast %mul3A_235 : f32 to vector<8x4950xf32>
    %mul3A_237 = arith.mulf %mul3A_236, %round3A_234 : vector<8x4950xf32>
    %sub3A_238 = arith.subf %round3A, %mul3A_237 : vector<8x4950xf32>
    %abs3A_239 = math.absf %sub3A_238 : vector<8x4950xf32>
    %mul3A_240 = arith.constant 2.000000e+00 : f32
    %mul3A_241 = vector.broadcast %mul3A_240 : f32 to vector<8x4950xf32>
    %mul3A_242 = arith.mulf %mul3A_241, %abs3A_239 : vector<8x4950xf32>
    %sub3A_243 = arith.constant 1.000000e+00 : f32
    %sub3A_244 = vector.broadcast %sub3A_243 : f32 to vector<8x4950xf32>
    %sub3A_245 = arith.subf %sub3A_244, %mul3A_242 : vector<8x4950xf32>
    %mul3A_246 = arith.mulf %sub3A_230, %sub3A_230 : vector<8x4950xf32>
    %mul3A_247 = arith.constant -1.95152956E-4 : f32
    %mul3A_248 = vector.broadcast %mul3A_247 : f32 to vector<8x4950xf32>
    %mul3A_249 = arith.mulf %mul3A_248, %mul3A_246 : vector<8x4950xf32>
    %add3A_250 = arith.constant 0.00833216123 : f32
    %add3A_251 = vector.broadcast %add3A_250 : f32 to vector<8x4950xf32>
    %add3A_252 = arith.addf %mul3A_249, %add3A_251 : vector<8x4950xf32>
    %mul3A_253 = arith.mulf %add3A_252, %mul3A_246 : vector<8x4950xf32>
    %sub3A_254 = arith.constant 0.166666538 : f32
    %sub3A_255 = vector.broadcast %sub3A_254 : f32 to vector<8x4950xf32>
    %sub3A_256 = arith.subf %mul3A_253, %sub3A_255 : vector<8x4950xf32>
    %mul3A_257 = arith.mulf %sub3A_230, %mul3A_246 : vector<8x4950xf32>
    %mul3A_258 = arith.mulf %mul3A_257, %sub3A_256 : vector<8x4950xf32>
    %add3A_259 = arith.addf %sub3A_230, %mul3A_258 : vector<8x4950xf32>
    %mul3A_260 = arith.mulf %sub3A_245, %add3A_259 : vector<8x4950xf32>
    %mul3A_261 = arith.mulf %slice3A_221, %mul3A_260 : vector<8x4950xf32>
    %add3A_262 = arith.constant 1.57079637 : f32
    %add3A_263 = vector.broadcast %add3A_262 : f32 to vector<8x4950xf32>
    %add3A_264 = arith.addf %slice3A_223, %add3A_263 : vector<8x4950xf32>
    %mul3A_265 = arith.constant 0.318309873 : f32
    %mul3A_266 = vector.broadcast %mul3A_265 : f32 to vector<8x4950xf32>
    %mul3A_267 = arith.mulf %add3A_264, %mul3A_266 : vector<8x4950xf32>
    %round3A_268 = math.roundeven %mul3A_267 : vector<8x4950xf32>
    %mul3A_269 = arith.constant 3.14159274 : f32
    %mul3A_270 = vector.broadcast %mul3A_269 : f32 to vector<8x4950xf32>
    %mul3A_271 = arith.mulf %round3A_268, %mul3A_270 : vector<8x4950xf32>
    %sub3A_272 = arith.subf %add3A_264, %mul3A_271 : vector<8x4950xf32>
    %mul3A_273 = arith.constant 5.000000e-01 : f32
    %mul3A_274 = vector.broadcast %mul3A_273 : f32 to vector<8x4950xf32>
    %mul3A_275 = arith.mulf %round3A_268, %mul3A_274 : vector<8x4950xf32>
    %round3A_276 = math.roundeven %mul3A_275 : vector<8x4950xf32>
    %mul3A_277 = arith.constant 2.000000e+00 : f32
    %mul3A_278 = vector.broadcast %mul3A_277 : f32 to vector<8x4950xf32>
    %mul3A_279 = arith.mulf %mul3A_278, %round3A_276 : vector<8x4950xf32>
    %sub3A_280 = arith.subf %round3A_268, %mul3A_279 : vector<8x4950xf32>
    %abs3A_281 = math.absf %sub3A_280 : vector<8x4950xf32>
    %mul3A_282 = arith.constant 2.000000e+00 : f32
    %mul3A_283 = vector.broadcast %mul3A_282 : f32 to vector<8x4950xf32>
    %mul3A_284 = arith.mulf %mul3A_283, %abs3A_281 : vector<8x4950xf32>
    %sub3A_285 = arith.constant 1.000000e+00 : f32
    %sub3A_286 = vector.broadcast %sub3A_285 : f32 to vector<8x4950xf32>
    %sub3A_287 = arith.subf %sub3A_286, %mul3A_284 : vector<8x4950xf32>
    %mul3A_288 = arith.mulf %sub3A_272, %sub3A_272 : vector<8x4950xf32>
    %mul3A_289 = arith.constant -1.95152956E-4 : f32
    %mul3A_290 = vector.broadcast %mul3A_289 : f32 to vector<8x4950xf32>
    %mul3A_291 = arith.mulf %mul3A_290, %mul3A_288 : vector<8x4950xf32>
    %add3A_292 = arith.constant 0.00833216123 : f32
    %add3A_293 = vector.broadcast %add3A_292 : f32 to vector<8x4950xf32>
    %add3A_294 = arith.addf %mul3A_291, %add3A_293 : vector<8x4950xf32>
    %mul3A_295 = arith.mulf %add3A_294, %mul3A_288 : vector<8x4950xf32>
    %sub3A_296 = arith.constant 0.166666538 : f32
    %sub3A_297 = vector.broadcast %sub3A_296 : f32 to vector<8x4950xf32>
    %sub3A_298 = arith.subf %mul3A_295, %sub3A_297 : vector<8x4950xf32>
    %mul3A_299 = arith.mulf %sub3A_272, %mul3A_288 : vector<8x4950xf32>
    %mul3A_300 = arith.mulf %mul3A_299, %sub3A_298 : vector<8x4950xf32>
    %add3A_301 = arith.addf %sub3A_272, %mul3A_300 : vector<8x4950xf32>
    %mul3A_302 = arith.mulf %sub3A_287, %add3A_301 : vector<8x4950xf32>
    %mul3A_303 = arith.mulf %mul3A_261, %mul3A_302 : vector<8x4950xf32>
    %swap3A_304 = arith.constant 0 : index
    %swap3A_305 = arith.constant 0 : index
    %swap3A_306 = vector.load %arg16[%swap3A_304, %swap3A_305] : memref<24x4950xf32, #tpu.memory_space<vmem>>, vector<8x4950xf32>
    tpu.vector_store %arg16[%swap3A_304, %swap3A_305], %mul3A_303 {strides = array<i32>} : memref<24x4950xf32, #tpu.memory_space<vmem>>, vector<8x4950xf32>,
    %mul3A_307 = arith.mulf %slice3A_221, %mul3A_260 : vector<8x4950xf32>
    %mul3A_308 = arith.constant 0.318309873 : f32
    %mul3A_309 = vector.broadcast %mul3A_308 : f32 to vector<8x4950xf32>
    %mul3A_310 = arith.mulf %slice3A_223, %mul3A_309 : vector<8x4950xf32>
    %round3A_311 = math.roundeven %mul3A_310 : vector<8x4950xf32>
    %mul3A_312 = arith.constant 3.14159274 : f32
    %mul3A_313 = vector.broadcast %mul3A_312 : f32 to vector<8x4950xf32>
    %mul3A_314 = arith.mulf %round3A_311, %mul3A_313 : vector<8x4950xf32>
    %sub3A_315 = arith.subf %slice3A_223, %mul3A_314 : vector<8x4950xf32>
    %mul3A_316 = arith.constant 5.000000e-01 : f32
    %mul3A_317 = vector.broadcast %mul3A_316 : f32 to vector<8x4950xf32>
    %mul3A_318 = arith.mulf %round3A_311, %mul3A_317 : vector<8x4950xf32>
    %round3A_319 = math.roundeven %mul3A_318 : vector<8x4950xf32>
    %mul3A_320 = arith.constant 2.000000e+00 : f32
    %mul3A_321 = vector.broadcast %mul3A_320 : f32 to vector<8x4950xf32>
    %mul3A_322 = arith.mulf %mul3A_321, %round3A_319 : vector<8x4950xf32>
    %sub3A_323 = arith.subf %round3A_311, %mul3A_322 : vector<8x4950xf32>
    %abs3A_324 = math.absf %sub3A_323 : vector<8x4950xf32>
    %mul3A_325 = arith.constant 2.000000e+00 : f32
    %mul3A_326 = vector.broadcast %mul3A_325 : f32 to vector<8x4950xf32>
    %mul3A_327 = arith.mulf %mul3A_326, %abs3A_324 : vector<8x4950xf32>
    %sub3A_328 = arith.constant 1.000000e+00 : f32
    %sub3A_329 = vector.broadcast %sub3A_328 : f32 to vector<8x4950xf32>
    %sub3A_330 = arith.subf %sub3A_329, %mul3A_327 : vector<8x4950xf32>
    %mul3A_331 = arith.mulf %sub3A_315, %sub3A_315 : vector<8x4950xf32>
    %mul3A_332 = arith.constant -1.95152956E-4 : f32
    %mul3A_333 = vector.broadcast %mul3A_332 : f32 to vector<8x4950xf32>
    %mul3A_334 = arith.mulf %mul3A_333, %mul3A_331 : vector<8x4950xf32>
    %add3A_335 = arith.constant 0.00833216123 : f32
    %add3A_336 = vector.broadcast %add3A_335 : f32 to vector<8x4950xf32>
    %add3A_337 = arith.addf %mul3A_334, %add3A_336 : vector<8x4950xf32>
    %mul3A_338 = arith.mulf %add3A_337, %mul3A_331 : vector<8x4950xf32>
    %sub3A_339 = arith.constant 0.166666538 : f32
    %sub3A_340 = vector.broadcast %sub3A_339 : f32 to vector<8x4950xf32>
    %sub3A_341 = arith.subf %mul3A_338, %sub3A_340 : vector<8x4950xf32>
    %mul3A_342 = arith.mulf %sub3A_315, %mul3A_331 : vector<8x4950xf32>
    %mul3A_343 = arith.mulf %mul3A_342, %sub3A_341 : vector<8x4950xf32>
    %add3A_344 = arith.addf %sub3A_315, %mul3A_343 : vector<8x4950xf32>
    %mul3A_345 = arith.mulf %sub3A_330, %add3A_344 : vector<8x4950xf32>
    %mul3A_346 = arith.mulf %mul3A_307, %mul3A_345 : vector<8x4950xf32>
    %swap3A_347 = arith.constant 8 : index
    %swap3A_348 = arith.constant 0 : index
    %swap3A_349 = vector.load %arg16[%swap3A_347, %swap3A_348] : memref<24x4950xf32, #tpu.memory_space<vmem>>, vector<8x4950xf32>
    tpu.vector_store %arg16[%swap3A_347, %swap3A_348], %mul3A_346 {strides = array<i32>} : memref<24x4950xf32, #tpu.memory_space<vmem>>, vector<8x4950xf32>,
    %add3A_350 = arith.constant 1.57079637 : f32
    %add3A_351 = vector.broadcast %add3A_350 : f32 to vector<8x4950xf32>
    %add3A_352 = arith.addf %slice3A_222, %add3A_351 : vector<8x4950xf32>
    %mul3A_353 = arith.constant 0.318309873 : f32
    %mul3A_354 = vector.broadcast %mul3A_353 : f32 to vector<8x4950xf32>
    %mul3A_355 = arith.mulf %add3A_352, %mul3A_354 : vector<8x4950xf32>
    %round3A_356 = math.roundeven %mul3A_355 : vector<8x4950xf32>
    %mul3A_357 = arith.constant 3.14159274 : f32
    %mul3A_358 = vector.broadcast %mul3A_357 : f32 to vector<8x4950xf32>
    %mul3A_359 = arith.mulf %round3A_356, %mul3A_358 : vector<8x4950xf32>
    %sub3A_360 = arith.subf %add3A_352, %mul3A_359 : vector<8x4950xf32>
    %mul3A_361 = arith.constant 5.000000e-01 : f32
    %mul3A_362 = vector.broadcast %mul3A_361 : f32 to vector<8x4950xf32>
    %mul3A_363 = arith.mulf %round3A_356, %mul3A_362 : vector<8x4950xf32>
    %round3A_364 = math.roundeven %mul3A_363 : vector<8x4950xf32>
    %mul3A_365 = arith.constant 2.000000e+00 : f32
    %mul3A_366 = vector.broadcast %mul3A_365 : f32 to vector<8x4950xf32>
    %mul3A_367 = arith.mulf %mul3A_366, %round3A_364 : vector<8x4950xf32>
    %sub3A_368 = arith.subf %round3A_356, %mul3A_367 : vector<8x4950xf32>
    %abs3A_369 = math.absf %sub3A_368 : vector<8x4950xf32>
    %mul3A_370 = arith.constant 2.000000e+00 : f32
    %mul3A_371 = vector.broadcast %mul3A_370 : f32 to vector<8x4950xf32>
    %mul3A_372 = arith.mulf %mul3A_371, %abs3A_369 : vector<8x4950xf32>
    %sub3A_373 = arith.constant 1.000000e+00 : f32
    %sub3A_374 = vector.broadcast %sub3A_373 : f32 to vector<8x4950xf32>
    %sub3A_375 = arith.subf %sub3A_374, %mul3A_372 : vector<8x4950xf32>
    %mul3A_376 = arith.mulf %sub3A_360, %sub3A_360 : vector<8x4950xf32>
    %mul3A_377 = arith.constant -1.95152956E-4 : f32
    %mul3A_378 = vector.broadcast %mul3A_377 : f32 to vector<8x4950xf32>
    %mul3A_379 = arith.mulf %mul3A_378, %mul3A_376 : vector<8x4950xf32>
    %add3A_380 = arith.constant 0.00833216123 : f32
    %add3A_381 = vector.broadcast %add3A_380 : f32 to vector<8x4950xf32>
    %add3A_382 = arith.addf %mul3A_379, %add3A_381 : vector<8x4950xf32>
    %mul3A_383 = arith.mulf %add3A_382, %mul3A_376 : vector<8x4950xf32>
    %sub3A_384 = arith.constant 0.166666538 : f32
    %sub3A_385 = vector.broadcast %sub3A_384 : f32 to vector<8x4950xf32>
    %sub3A_386 = arith.subf %mul3A_383, %sub3A_385 : vector<8x4950xf32>
    %mul3A_387 = arith.mulf %sub3A_360, %mul3A_376 : vector<8x4950xf32>
    %mul3A_388 = arith.mulf %mul3A_387, %sub3A_386 : vector<8x4950xf32>
    %add3A_389 = arith.addf %sub3A_360, %mul3A_388 : vector<8x4950xf32>
    %mul3A_390 = arith.mulf %sub3A_375, %add3A_389 : vector<8x4950xf32>
    %mul3A_391 = arith.mulf %slice3A_221, %mul3A_390 : vector<8x4950xf32>
    %swap3A_392 = arith.constant 16 : index
    %swap3A_393 = arith.constant 0 : index
    %swap3A_394 = vector.load %arg16[%swap3A_392, %swap3A_393] : memref<24x4950xf32, #tpu.memory_space<vmem>>, vector<8x4950xf32>
    tpu.vector_store %arg16[%swap3A_392, %swap3A_393], %mul3A_391 {strides = array<i32>} : memref<24x4950xf32, #tpu.memory_space<vmem>>, vector<8x4950xf32>,
    %get3A_395 = arith.constant 0 : index
    %get3A_396 = arith.constant 0 : index
    %get3A_397 = vector.load %arg16[%get3A_395, %get3A_396] : memref<24x4950xf32, #tpu.memory_space<vmem>>, vector<24x4950xf32>
    %get3A_398 = arith.constant 0 : index
    %get3A_399 = arith.constant 0 : index
    %get3A_400 = vector.load %arg13[%get3A_398, %get3A_399] : memref<4950x100xf32, #tpu.memory_space<vmem>>, vector<4950x100xf32>
    %dot_general3A_401 = arith.constant dense<0.000000e+00> : vector<24x100xf32>
    %dot_general3A_402 = tpu.matmul %get3A_397, %get3A_400, %dot_general3A_401 {dimension_numbers = #tpu.dot_dimension_numbers<[1], [0], [0], [1], [0, 0, 1, 1], [], []>, transpose_lhs_hint = false} : vector<24x4950xf32>, vector<4950x100xf32>, vector<24x100xf32> -> vector<24x100xf32>
    %get3A_403 = arith.constant 0 : index
    %get3A_404 = arith.constant 0 : index
    %get3A_405 = vector.load %arg17[%get3A_403, %get3A_404] : memref<1x100xf32, #tpu.memory_space<vmem>>, vector<1x100xf32>
    %mul3A_406 = vector.broadcast %get3A_405 : vector<1x100xf32> to vector<24x100xf32>
    %mul3A_407 = arith.mulf %dot_general3A_402, %mul3A_406 : vector<24x100xf32>
    %reshape3A = vector.shape_cast %mul3A_407 : vector<24x100xf32> to vector<3x8x100xf32>
    %swap3A_408 = arith.constant 0 : index
    %swap3A_409 = arith.constant 0 : index
    %swap3A_410 = arith.constant 0 : index
    %swap3A_411 = vector.load %arg12[%swap3A_408, %swap3A_409, %swap3A_410] : memref<3x8x100xf32, #tpu.memory_space<vmem>>, vector<3x8x100xf32>
    tpu.vector_store %arg12[%swap3A_408, %swap3A_409, %swap3A_410], %reshape3A {strides = array<i32>} : memref<3x8x100xf32, #tpu.memory_space<vmem>>, vector<3x8x100xf32>,
    return
  }
  func.func @transform_0(%arg0: i32) -> (i32, i32, i32) {
    %c0_i32 = arith.constant 0 : i32
    %c0_i32_0 = arith.constant 0 : i32
    %c0_i32_1 = arith.constant 0 : i32
    return %c0_i32, %arg0, %c0_i32_0 : i32, i32, i32
  }
  func.func @transform_1(%arg0: i32) -> (i32, i32) {
    %c0_i32 = arith.constant 0 : i32
    %c0_i32_0 = arith.constant 0 : i32
    %c0_i32_1 = arith.constant 0 : i32
    return %c0_i32, %c0_i32_0 : i32, i32
  }
  func.func @transform_2(%arg0: i32) -> (i32, i32) {
    %c0_i32 = arith.constant 0 : i32
    %c0_i32_0 = arith.constant 0 : i32
    %c0_i32_1 = arith.constant 0 : i32
    return %c0_i32, %c0_i32_0 : i32, i32
  }
  func.func @transform_3(%arg0: i32) -> (i32, i32) {
    %c0_i32 = arith.constant 0 : i32
    %c0_i32_0 = arith.constant 0 : i32
    %c0_i32_1 = arith.constant 0 : i32
    return %c0_i32, %c0_i32_0 : i32, i32
  }
  func.func @transform_4(%arg0: i32) -> (i32, i32) {
    %c0_i32 = arith.constant 0 : i32
    %c0_i32_0 = arith.constant 0 : i32
    %c0_i32_1 = arith.constant 0 : i32
    return %c0_i32, %c0_i32_0 : i32, i32
  }
  func.func @transform_5(%arg0: i32) -> (i32, i32) {
    %c0_i32 = arith.constant 0 : i32
    %c0_i32_0 = arith.constant 0 : i32
    %c0_i32_1 = arith.constant 0 : i32
    return %c0_i32, %c0_i32_0 : i32, i32
  }
  func.func @transform_6(%arg0: i32) -> (i32, i32) {
    %c0_i32 = arith.constant 0 : i32
    %c0_i32_0 = arith.constant 0 : i32
    %c0_i32_1 = arith.constant 0 : i32
    return %c0_i32, %c0_i32_0 : i32, i32
  }
  func.func @transform_7(%arg0: i32) -> (i32, i32) {
    %c0_i32 = arith.constant 0 : i32
    %c0_i32_0 = arith.constant 0 : i32
    %c0_i32_1 = arith.constant 0 : i32
    return %c0_i32, %c0_i32_0 : i32, i32
  }
  func.func @transform_8(%arg0: i32) -> (i32, i32) {
    %c0_i32 = arith.constant 0 : i32
    %c0_i32_0 = arith.constant 0 : i32
    %c0_i32_1 = arith.constant 0 : i32
    return %c0_i32, %c0_i32_0 : i32, i32
  }
  func.func @transform_9(%arg0: i32) -> (i32, i32) {
    %c0_i32 = arith.constant 0 : i32
    %c0_i32_0 = arith.constant 0 : i32
    %c0_i32_1 = arith.constant 0 : i32
    return %c0_i32, %c0_i32_0 : i32, i32
  }
  func.func @transform_10(%arg0: i32) -> (i32, i32) {
    %c0_i32 = arith.constant 0 : i32
    %c0_i32_0 = arith.constant 0 : i32
    %c0_i32_1 = arith.constant 0 : i32
    return %c0_i32, %c0_i32_0 : i32, i32
  }
  func.func @transform_11(%arg0: i32) -> (i32, i32, i32) {
    %c0_i32 = arith.constant 0 : i32
    %c0_i32_0 = arith.constant 0 : i32
    %c0_i32_1 = arith.constant 0 : i32
    return %c0_i32, %arg0, %c0_i32_0 : i32, i32, i32
  }
}

</mosaic_0001>

<sc_bundles>
// kernel: gather_offload_async_start.1
scs
__scs_entry_jumppad:
0x0: {  	(pc) =	sbr.rel $0x88, $3  }
0x1: {  	(tag) =	ssettag $0x0;
	lr =	simm.s32 $0x1  }
0x2: {  	[smem:$0x3F97] =	sst lr;
	_ =	strace $0xD0000000  }
0x3: {  	_ = 	snop  }
0x4: {  	_ = 	snop  }
0x5: {  	_ = 	snop  }
0x6: {  	_ = 	snop  }
0x7: {  	_ = 	snop  }
__scs_overlays_trampoline_lowered:
0x8: {  	[smem:$0x3FA6] =	sst s0  }
0x9: {  	[smem:$0x3FA7] =	sst s1  }
0xa: {  	[smem:$0x3FA8] =	sst s2  }
0xb: {  	[smem:$0x3FA9] =	sst s3  }
0xc: {  	[smem:$0x3FAA] =	sst s4  }
0xd: {  	[smem:$0x3FAB] =	sst s5  }
0xe: {  	[smem:$0x3FAC] =	sst s6  }
0xf: {  	[smem:$0x3FAD] =	sst s7  }
0x10: {  	[smem:$0x3FAE] =	sst s8  }
0x11: {  	[smem:$0x3FAF] =	sst s9;
	s0 =	simm.s32 @!p0 $0x0  }
0x12: {  	s1 =	sld [smem:$0x3F95];
	s0 =	simm.s32 @p0 $0x1  }
0x13: {  	[smem:$0x3FB0] =	sst s0;
	s0 =	simm.s32 @!p1 $0x0  }
0x14: {  	s2 =	sld [smem:$0x3F94];
	s0 =	simm.s32 @p1 $0x1  }
0x15: {  	[smem:$0x3FB1] =	sst s0;
	s0 =	simm.s32 @!p2 $0x0  }
0x16: {  	s3 =	sld [smem:$0x3FDB];
	s0 =	simm.s32 @p2 $0x1  }
0x17: {  	s4 =	simm.s32 $0x1BF5;
	[smem:$0x3FB3] =	sst s0  }
0x18: {  	s0 =	sld [smem:$0x3F96];
	_ =	swait.ge [sflag:s4], $0x0  }
0x19: {  	s7 =	sld [smem:$0x3F97]  }
0x1a: {  	s8 =	sadd.s32 $0xFFFFE003, lr  }
0x1b: {  	s9 =	sadd.s32 $0xFFFFFEF7, lr;
	s5 =	simm.s32 $0xFFFFFFFF;
	p2 =	slt.u32 s8, $0xFFFFF086  }
0x1c: {  	p1 =	slt.u32 s9, $0xF7A;
	s5 =	simm.s32 @!p2 $0x0  }
0x1d: {  	s5 =	simm.s32 @p1 $0x1;
	p0 =	seq.s32 s7, s2  }
0x1e: {  	s7 =	smul.u32 @!p0 $0xF7A, s2;
	p2 =	seq.s32 @!p0 s5, $0x0  }
0x1f: {  	s9 =	smul.u32 $0xF7A, s1;
	s8 =	simm.s32 @!p0 $0x1BF5;
	p2 =	por !p2, p0  }
0x20: {  	[sflag:s8] =	ssyncset.s32 @!p0 $0xFFFFF086;
	s6 =	sadd.s32 @!p0 s3, s7;
	s7 =	simm.s32 @!p0 $0x108  }
0x21: {  	s3 =	sadd.s32 s3, s9;
	s6 =	sadd.s32 @!p0 $0x88, s6;
	s7 =	simm.s32 @p2 $0x1082  }
0x22: {  	[simem:s7], [sflag:s8] =	dma.local @!p0 [hbm:s6], $0xF7A  }
0x23: {  	s9 =	sor.u32 $0xD0000000, s2;
	s6 =	simm.s32 $0x108;
	_ =	swait.ge @!p0 [sflag:s8], $0x0  }
0x24: {  	s3 =	sadd.s32 $0x88, s3;
	s6 =	simm.s32 @!p1 $0x1082;
	[sflag:s4] =	ssyncset.s32 $0xFFFFF086  }
0x25: {  	[simem:s6], [sflag:s4] =	dma.local [hbm:s3], $0xF7A  }
0x26: {  	[smem:$0x3F97] =	sst s1;
	(tag) =	ssettag s2;
	_ =	strace s9  }
0x27: {  	s1 =	sld [smem:$0x3FA7]  }
0x28: {  	s2 =	sld [smem:$0x3FA8]  }
0x29: {  	s4 =	sld [smem:$0x3FAA]  }
0x2a: {  	p0 =	seq.s32 s5, $0x0;
	s5 =	sld [smem:$0x3FAB]  }
0x2b: {  	s6 =	sld [smem:$0x3FAC]  }
0x2c: {  	s7 =	sld [smem:$0x3FAD]  }
0x2d: {  	s3 =	simm.s32 $0x108;
	s8 =	sld [smem:$0x3FAE]  }
0x2e: {  	s3 =	simm.s32 @!p0 $0x1082;
	s9 =	sld [smem:$0x3FAF]  }
0x2f: {  	lr =	sadd.s32 s0, s3;
	s0 =	sld [smem:$0x3FA6]  }
0x30: {  	s3 =	sld [smem:$0x3FA9]  }
0x31: {  	[smem:$0x3FB2] =	sst s10  }
0x32: {  	s10 =	sld [smem:$0x3FB0];
	_ =	sdelay $0x3  }
0x33: {  	p0 =	seq.s32 s10, $0x1;
	s10 =	sld [smem:$0x3FB2];
	_ =	sdelay $0x3  }
0x34: {  	[smem:$0x3FB2] =	sst s10  }
0x35: {  	s10 =	sld [smem:$0x3FB1];
	_ =	sdelay $0x3  }
0x36: {  	p1 =	seq.s32 s10, $0x1;
	s10 =	sld [smem:$0x3FB2];
	_ =	sdelay $0x3  }
0x37: {  	[smem:$0x3FB2] =	sst s10  }
0x38: {  	s10 =	sld [smem:$0x3FB3]  }
0x39: {  	_ = 	snop;
	(pc) =	sbr.ind lr, $3  }
0x3a: {  	_ = 	snop  }
0x3b: {  	_ = 	snop  }
0x3c: {  	p2 =	seq.s32 s10, $0x1;
	s10 =	sld [smem:$0x3FB2]  }
0x3d: {  	_ =	shalt  }
0x3e: {  	_ =	shalt  }
0x3f: {  	_ =	shalt  }
0x40: {  	_ =	shalt  }
0x41: {  	_ =	shalt  }
0x42: {  	_ =	shalt  }
0x43: {  	_ =	shalt  }
0x44: {  	_ =	shalt  }
0x45: {  	_ =	shalt  }
0x46: {  	_ =	shalt  }
0x47: {  	_ =	shalt  }
0x48: {  	_ =	shalt  }
0x49: {  	_ =	shalt  }
0x4a: {  	_ =	shalt  }
0x4b: {  	_ =	shalt  }
0x4c: {  	_ =	shalt  }
0x4d: {  	_ =	shalt  }
0x4e: {  	_ =	shalt  }
0x4f: {  	_ =	shalt  }
0x50: {  	_ =	shalt  }
0x51: {  	_ =	shalt  }
0x52: {  	_ =	shalt  }
0x53: {  	_ =	shalt  }
0x54: {  	_ =	shalt  }
0x55: {  	_ =	shalt  }
0x56: {  	_ =	shalt  }
0x57: {  	_ =	shalt  }
0x58: {  	_ =	shalt  }
0x59: {  	_ =	shalt  }
0x5a: {  	_ =	shalt  }
0x5b: {  	_ =	shalt  }
0x5c: {  	_ =	shalt  }
0x5d: {  	_ =	shalt  }
0x5e: {  	_ =	shalt  }
0x5f: {  	_ =	shalt  }
0x60: {  	_ =	shalt  }
0x61: {  	_ =	shalt  }
0x62: {  	_ =	shalt  }
0x63: {  	_ =	shalt  }
0x64: {  	_ =	shalt  }
0x65: {  	_ =	shalt  }
0x66: {  	_ =	shalt  }
0x67: {  	_ =	shalt  }
0x68: {  	_ =	shalt  }
0x69: {  	_ =	shalt  }
0x6a: {  	_ =	shalt  }
0x6b: {  	_ =	shalt  }
0x6c: {  	_ =	shalt  }
0x6d: {  	_ =	shalt  }
0x6e: {  	_ =	shalt  }
0x6f: {  	_ =	shalt  }
0x70: {  	_ =	shalt  }
0x71: {  	_ =	shalt  }
0x72: {  	_ =	shalt  }
0x73: {  	_ =	shalt  }
0x74: {  	_ =	shalt  }
0x75: {  	_ =	shalt  }
0x76: {  	_ =	shalt  }
0x77: {  	_ =	shalt  }
0x78: {  	_ =	shalt  }
0x79: {  	_ =	shalt  }
0x7a: {  	_ =	shalt  }
0x7b: {  	_ =	shalt  }
0x7c: {  	_ =	shalt  }
0x7d: {  	_ =	shalt  }
0x7e: {  	_ =	shalt  }
0x7f: {  	_ =	shalt  }
0x80: {  	_ =	shalt  }
0x81: {  	_ =	shalt  }
0x82: {  	_ =	shalt  }
0x83: {  	_ =	shalt  }
0x84: {  	_ =	shalt  }
0x85: {  	_ =	shalt  }
0x86: {  	_ =	shalt  }
0x87: {  	_ =	shalt  }
.Lfunc_end0:
.L_simem_size_0:
called_computation.1_lowered:
.L_overlay_start_0:
0x88: {  	s2 =	sld [smem:$0x3FD9]  }
0x89: {  	s3 =	sld [smem:$0x3FFE];
	_ =	sdelay $0x1  }
0x8a: {  	s1 =	srdreg.scid  }
0x8b: {  	s0 =	sand.u32 $0x1, s1  }
0x8c: {  	s17 =	sshll.u32 s0, $0xA;
	s2 =	sadd.s32 s3, s2  }
0x8d: {  	s2 =	sadd.s32 s2, s17  }
0x8e: {  	[smem:$0x3FBE] =	sst s2  }
0x8f: {  	_ = 	snop  }
0x90: {  	s2 =	sld [smem:$0x3FC9];
	(tm) =	ssettm $0x1  }
0x91: {  	s18 =	sld [smem:$0x3FFB];
	_ =	sdelay $0x3  }
0x92: {  	_ =	strace s18  }
0x93: {  	s3 =	sld [smem:$0x3FFC];
	_ =	sdelay $0x3  }
0x94: {  	_ =	strace s3  }
0x95: {  	s3 =	sld [smem:$0x3FFD];
	_ =	sdelay $0x3  }
0x96: {  	_ =	strace s3  }
0x97: {  	_ =	strace $0x8FFFFFFF  }
0x98: {  	s19 =	sld [smem:$0x3FDB];
	_ =	sdelay $0x1  }
0x99: {  	s4 =	simm.s32 $_scs_section_size  }
0x9a: {  	s5 =	simm.s32 $_size__tile_overlayer_lowered;
	s6 =	simm.s32 $_tile_overlayer_lowered  }
0x9b: {  	s22 =	simm.s32 $0x1BFF;
	s21 =	sshll.u32 s6, $0x1;
	s3 =	sadd.s32 s4, s19  }
0x9c: {  	s7 =	simm.s32 $0x0;
	s20 =	sshll.u32 s5, $0x1;
	s5 =	sadd.s32 s21, s3  }
0x9d: {  	[timem:s7], [sflag:s22] =	dma.local [hbm:s5], s20  }
0x9e: {  	_ =	swait.ge [sflag:s22], s20  }
0x9f: {  	s4 =	ssub.s32 $0x0, s20;
	[sflag:s22] =	ssyncset.done $0x0  }
0xa0: {  	[sflag:s22] =	ssyncadd.s32 s4;
	_ =	sdelay $0x1  }
0xa1: {  	s23 =	simm.s32 $0x1B8B  }
0xa2: {  	_ =	swait.ge [sflag:s23], $0x1  }
0xa3: {  	[sflag:s23] =	ssyncset.done $0x0  }
0xa4: {  	s25 =	simm.s32 $0x1B8E;
	s24 =	sld [smem:$0x3FFE];
	[sflag:s23] =	ssyncadd.s32 $0xFFFFFFFF  }
0xa5: {  	s26 =	simm.s32 $execute0_lowered;
	[smem:$0x3FD2] =	sst s25  }
0xa6: {  	s5 =	sshll.u32 s26, $0x1;
	_ =	strace $0x80000049;
	[dreg:$0x1] =	wrdreg $0xFFFFFFFF  }
0xa7: {  	s28 =	simm.s32 $_size_execute0_lowered;
	s3 =	sadd.s32 s3, s5;
	[dreg:$0x0] =	wrdreg $0x0  }
0xa8: {  	s5 =	sshll.u32 s28, $0x1;
	[dreg:$0x2] =	wrdreg s3  }
0xa9: {  	[dreg:$0x3] =	wrdreg s5  }
0xaa: {  	[dreg:$0x4] =	wrdreg $0xC0  }
0xab: {  	_ =	task [dreg:s7], $0x5FFFF  }
0xac: {  	[dreg:$0x1] =	wrdreg $0xFFFFFFFF  }
0xad: {  	[dreg:$0x0] =	wrdreg $0x60  }
0xae: {  	[dreg:$0x2] =	wrdreg s2  }
0xaf: {  	[dreg:$0x3] =	wrdreg s24  }
0xb0: {  	[dreg:$0x4] =	wrdreg $0xA  }
0xb1: {  	_ =	task.clear_ibuf [dreg:s7], $0x5FFFF;
	_ =	strace $0x90000049  }
0xb2: {  	s29 =	simm.s32 $0xA;
	_ =	strace $0x8000004B  }
0xb3: {  	_ =	swait.ge [sflag:s29], $0x1  }
0xb4: {  	[sflag:s29] =	ssyncadd.s32 $0xFFFFFFFF  }
0xb5: {  	_ =	strace $0x9000004B  }
0xb6: {  	_ =	sfence  }
0xb7: {  	s30 =	sld [smem:$0x0];
	_ =	sdelay $0x2  }
0xb8: {  	s31 =	sshll.u32 s1, $0xD;
	s1 =	sshrl.u32 s1, $0x2  }
0xb9: {  	s3 =	sand.u32 $0x4000, s31;
	s1 =	sadd.s32 s1, s30  }
0xba: {  	s0 =	sor.u32 s3, s0;
	s1 =	sshll.u32 s1, $0x11  }
0xbb: {  	s0 =	sor.u32 s1, s0  }
0xbc: {  	s0 =	sadd.s32 $0x8F2B, s0  }
0xbd: {  	[sflag:s0] =	ssyncadd.remote.s32 $0x1  }
0xbe: {  	_ =	sfence.sel $0xFFFF  }
0xbf: {  	[dreg:$0x0] =	wrdreg $0xFFFFFFFF;
	(pc) =	sbr.abs _section_cstart, $3  }
0xc0: {  	[dreg:$0x1] =	wrdreg $0xFFFFFFFF  }
0xc1: {  	_ =	task.clear_ibuf [dreg:s7], $0x2FFFF;
	_ =	strace $0x9FFFFFFF  }
0xc2: {  	(tm) =	ssettm $0x7FFFFFFF  }
0xc3: {  	_ =	shalt  }
tec
execute0_lowered:
.L_overlay_start_1:
0x0: {  	(tag) =	ssettag $0x1  }
0x1: {  	s0 =	stileid.u32;
	s1 =	srdreg.scid  }
0x2: {  	s1 =	sand.u32 $0x1, s1;
	s2 =	sshll.u32 s0, $0x1  }
0x3: {  	s1 =	sor.u32 s2, s1  }
0x4: {  	s2 =	smul.u32 $0x7BC0, s1;
	_ =	sdelay $0x1  }
0x5: {  	s6 =	ssub.s32 $0x4D5800, s2  }
0x6: {  	s3 =	rddreg [dreg:$0x0];
	s31 =	smulhi.u32 $0x4232AF, s6  }
0x7: {  	s8 =	rddreg [dreg:$0x1];
	s5 =	simm.s32 $0x1  }
0x8: {  	s10 =	simm.s32 $0x3;
	s13 =	simm.s32 $0x0;
	s7 =	sshrl.u32 s31, $0xA  }
0x9: {  	s12 =	simm.s32 $0x0;
	s4 =	sadd.s32 $0x2B600, s8;
	s9 =	smul.u32 $0xF7800, s7  }
.Ltmp0:
0xa: {  	s8 =	sadd.s32 $0xC6200, s8;
	s1 =	rddreg [dreg:$0x2];
	(pc) =	sbr.rel .LBB2_1-.Ltmp0, $4  }
0xb: {  	_ =	strace $0x8000004A;
	p0 =	sne.s32 s6, s9;
	s9 =	simm.s32 $0x1  }
0xc: {  	[sflag:s5] =	ssyncpa.u1 $0x0;
	s6 =	simm.s32 $0x2;
	s9 =	simm.s32 @!p0 $0x0  }
0xd: {  	s11 =	smov.u32 s2;
	[sflag:s6] =	ssyncpa.u1 $0x0;
	s7 =	sadd.s32 s9, s7  }
0xe: {  	vm0 =	vmmov $0xffff;
	[sflag:s10] =	ssyncpa.u1 $0x0;
	s10 =	simm.s32 $0x0;
	s9 =	sadd.s32 $0x1, s7  }
.LBB2_4:
0xf: {  	vm2 =	veq.s32 v2, $0x80000000;
	v4 =	vand.u32 $0x3, v4;
	v5 =	vor.u32 v6, v5  }
0x10: {  	v1 =	vand.u32 $0x7FFFFF, v1;
	v7 =	vshrl.u32 v2, $0x17;
	v56 =	vand.u32 $0x7FFFFF, v2  }
0x11: {  	v4 =	vsel vm1, $0xFFFFFFFF, v4;
	v3 =	vor.u32 v3, v5;
	v1 =	vsel vm1, $0xFFFFFFFF, v1  }
0x12: {  	vm1 =	vmmov vm2;
	v7 =	vand.u32 $0x3, v7;
	v54 =	vshrl.u32 v4, $0x2  }
0x13: {  	v4 =	vshll.u32 v4, $0x7;
	v55 =	vshll.u32 v1, $0x2;
	v57 =	vsel vm1, $0xFFFFFFFF, v7  }
0x14: {  	v2 =	vsel vm1, $0xFFFFFFFF, v56;
	v1 =	vand.u32 $0x7F, v1;
	v5 =	vmul.u32 $0x1356000, v54  }
0x15: {  	v6 =	vand.u32 $0xFFFFFE00, v55;
	v4 =	vand.u32 $0x180, v4;
	v7 =	vshrl.u32 v57, $0x2  }
0x16: {  	v59 =	vshll.u32 v2, $0x2;
	v58 =	vmul.u32 $0x1356000, v7;
	v5 =	vadd.s32 v6, v5  }
0x17: {  	v7 =	vand.u32 $0xFFFFFE00, v59;
	v6 =	vshll.u32 v57, $0x7;
	v4 =	vor.u32 v4, v5  }
0x18: {  	v60 =	vadd.s32 v7, v58;
	v61 =	vand.u32 $0x180, v6;
	v1 =	vor.u32 v1, v4  }
0x19: {  	[tilespmem:s16], [sflag:$0x1] =	stream.indirect_vreg.gather [hbm4b:s3+s10], $0x1, v0, vm0, $0x4038;
	v62 =	vand.u32 $0x7F, v2;
	v63 =	vor.u32 v61, v60;
	[tilespmem:$0x1EF00] =	vst v63  }
0x1a: {  	(ifvalue) =	ssetifvalue $0x7FFFFFFF;
	v0 =	vor.u32 v62, v63  }
0x1b: {  	[tilespmem:s15], [sflag:$0x1] =	stream.indirect_vreg.gather [hbm4b:s3+s10], $0x1, v3, vm0, $0x4038;
	[tilespmem:$0x1EF00] =	vst v63  }
0x1c: {  	s29 =	sadd.s32 $0x10, s15;
	(ifvalue) =	ssetifvalue $0x7FFFFFFF  }
0x1d: {  	[tilespmem:s29], [sflag:$0x1] =	stream.indirect_vreg.gather [hbm4b:s3+s10], $0x1, v1, vm0, $0x4038;
	[tilespmem:$0x1EF00] =	vst v63  }
0x1e: {  	s15 =	sadd.s32 $0x10, s29;
	(ifvalue) =	ssetifvalue $0x7FFFFFFF  }
0x1f: {  	[tilespmem:s15], [sflag:$0x1] =	stream.indirect_vreg.gather [hbm4b:s3+s10], $0x1, v0, vm0, $0x4038;
	[tilespmem:$0x1EF00] =	vst v63  }
0x20: {  	_ =	swait.ge [sflag:s5], $0x7BC0  }
0x21: {  	s30 =	sshrl.u32 s13, $0x3;
	[sflag:s5] =	ssyncset.done $0x0  }
0x22: {  	s31 =	sand.u32 $0x7, s13;
	s15 =	sadd.s32 s8, s30;
	[sflag:s5] =	ssyncadd.s32 $0xFFFF8440  }
0x23: {  	[hbm4b:s15+s31] =	stream.linear.scatter [tilespmem:s14], [sflag:$0x3], $0x7BC0, $0x38;
	[tilespmem:$0x1EF00] =	vst v63  }
.LBB2_5:
0x24: {  	s15 =	sadd.s32 $0xF7800, s11  }
0x25: {  	p1 =	sgt.s32 s15, $0x4D57FF  }
0x26: {  	s15 =	smov.u32 @p1 s2;
	p1 =	sne.s32 s12, s9  }
.Ltmp1:
0x27: {  	p0 =	slt.u32 s12, $0x2;
	(pc) =	sbr.rel @!p1 .LBB2_6-.Ltmp1, $4  }
0x28: {  	s14 =	simm.s32 @!p0 $0x3  }
0x29: {  	_ =	swait.ge @!p0 [sflag:s14], $0x7BC0  }
0x2a: {  	s16 =	sadd.s32 $0x1, s12;
	s13 =	smov.u32 s11;
	[sflag:s14] =	ssyncset.done @!p0 $0x0  }
0x2b: {  	s12 =	smov.u32 s16;
	s11 =	smov.u32 s15;
	[sflag:s14] =	ssyncadd.s32 @!p0 $0xFFFF8440  }
.LBB2_1:
0x2c: {  	p0 =	sge.u32 s12, s7  }
0x2d: {  	s14 =	sxor.u32 @!p0 $0xFFFFFFFF, s12  }
0x2e: {  	s14 =	sand.u32 @!p0 $0x1, s14  }
0x2f: {  	s14 =	smul.u32 @!p0 $0x1EF00, s14  }
0x30: {  	s31 =	sadd.s32 $0xFFFFFFFF, s12;
	s15 =	sshrl.u32 @!p0 s11, $0x3  }
0x31: {  	s16 =	sand.u32 @!p0 $0x7, s11;
	s15 =	sadd.s32 @!p0 s4, s15;
	s14 =	sshrl.u32 @!p0 s14, $0x2  }
0x32: {  	[tilespmem:s14], [sflag:$0x2] =	stream.linear.gather @!p0 [hbm4b:s15+s16], $0x7BC0, $0x38;
	[tilespmem:$0x1EF00] =	vst v63  }
0x33: {  	p0 =	sge.u32 s31, s7  }
.Ltmp2:
0x34: {  	_ = 	snop;
	(pc) =	sbr.rel @p0 .LBB2_5-.Ltmp2, $1  }
0x35: {  	_ =	sdelay $0x3  }
0x36: {  	s14 =	sand.u32 $0x1, s12  }
0x37: {  	_ =	swait.ge [sflag:s6], $0x7BC0;
	p0 =	seq.s32 s14, $0x1;
	s14 =	simm.s32 $0x7BC0  }
0x38: {  	[sflag:s6] =	ssyncset.done $0x0;
	s14 =	simm.s32 @!p0 $0x0  }
0x39: {  	[sflag:s6] =	ssyncadd.s32 $0xFFFF8440;
	(ifvalue) =	ssetifvalue $0x7FFFFFFF;
	v0 =	vld.msk [tilespmem:s14+$0x0 ss:$0x1], $0xffff;
	_ =	sdelay $0x2  }
0x3a: {  	s15 =	sadd.s32 $0x10, s14  }
0x3b: {  	v2 =	vld.msk [tilespmem:s15+$0x0 ss:$0x1], $0xffff  }
0x3c: {  	vm1 =	veq.s32 v0, $0x80000000;
	v1 =	vshrl.u32 v0, $0x17  }
0x3d: {  	vm1 =	vmmov vm1;
	v3 =	vand.u32 $0x3, v1  }
0x3e: {  	v0 =	vand.u32 $0x7FFFFF, v0;
	v3 =	vsel vm1, $0xFFFFFFFF, v3  }
0x3f: {  	s15 =	sadd.s32 $0x10, s15;
	v0 =	vsel vm1, $0xFFFFFFFF, v0;
	v4 =	vshrl.u32 v3, $0x2  }
0x40: {  	v1 =	vld.msk [tilespmem:s15+$0x0 ss:$0x1], $0xffff;
	v6 =	vshrl.u32 v2, $0x17;
	v5 =	vshll.u32 v0, $0x2;
	v4 =	vmul.u32 $0x1356000, v4  }
0x41: {  	vm1 =	veq.s32 v2, $0x80000000;
	v3 =	vshll.u32 v3, $0x7;
	v5 =	vand.u32 $0xFFFFFE00, v5  }
0x42: {  	v0 =	vand.u32 $0x7F, v0;
	v3 =	vand.u32 $0x180, v3;
	v4 =	vadd.s32 v5, v4  }
0x43: {  	vm1 =	vmmov vm1;
	v5 =	vand.u32 $0x3, v6;
	v3 =	vor.u32 v3, v4  }
0x44: {  	v2 =	vand.u32 $0x7FFFFF, v2;
	v4 =	vsel vm1, $0xFFFFFFFF, v5;
	v0 =	vor.u32 v0, v3  }
0x45: {  	s15 =	sadd.s32 $0x10, s15;
	vm2 =	veq.s32 v1, $0x80000000;
	v3 =	vsel vm1, $0xFFFFFFFF, v2;
	v2 =	vshrl.u32 v4, $0x2  }
0x46: {  	s14 =	sadd.s32 $0xF780, s14;
	v6 =	vshll.u32 v4, $0x7;
	v5 =	vmul.u32 $0x1356000, v2;
	v4 =	vshll.u32 v3, $0x2;
	v2 =	vld.msk [tilespmem:s15+$0x0 ss:$0x1], $0xffff  }
0x47: {  	s17 =	simm.s32 $0x30;
	s16 =	smov.u32 s14;
	vm1 =	vmmov vm2;
	v3 =	vand.u32 $0x7F, v3;
	v7 =	vand.u32 $0xFFFFFE00, v4  }
0x48: {  	s18 =	sadd.s32 $0x10, s15;
	v6 =	vand.u32 $0x180, v6;
	(ifvalue) =	ssetifvalue $0x7FFFFFFF;
	s15 =	sadd.s32 $0x10, s14;
	v4 =	vshrl.u32 v1, $0x17;
	v5 =	vadd.s32 v7, v5  }
.LBB2_3:
0x49: {  	[tilespmem:s16], [sflag:$0x1] =	stream.indirect_vreg.gather [hbm4b:s3+s10], $0x1, v0, vm0, $0x4038;
	[tilespmem:$0x1EF00] =	vst v63  }
0x4a: {  	s17 =	sadd.s32 $0x10, s17  }
0x4b: {  	vm2 =	veq.s32 v2, $0x80000000;
	v4 =	vand.u32 $0x3, v4;
	v5 =	vor.u32 v6, v5;
	v6 =	vmovc v2;
	v2 =	vld.msk [tilespmem:s18+$0x0 ss:$0x1], $0xffff;
	p0 =	slt.u32 s17, $0x7BB0  }
.Ltmp3:
0x4c: {  	v7 =	vand.u32 $0x7FFFFF, v1;
	s16 =	smov.u32 s15;
	v4 =	vsel vm1, $0xFFFFFFFF, v4;
	v0 =	vor.u32 v3, v5;
	v1 =	vmovc v6;
	(pc) =	sbr.rel @p0 .LBB2_3-.Ltmp3, $4  }
0x4d: {  	v5 =	vsel vm1, $0xFFFFFFFF, v7;
	v6 =	vshrl.u32 v4, $0x2;
	v7 =	vshll.u32 v4, $0x7  }
0x4e: {  	v3 =	vand.u32 $0x7F, v5;
	v4 =	vshll.u32 v5, $0x2;
	v6 =	vmul.u32 $0x1356000, v6  }
0x4f: {  	vm1 =	vmmov vm2;
	v5 =	vand.u32 $0xFFFFFE00, v4  }
0x50: {  	s18 =	sadd.s32 $0x10, s18;
	s15 =	sadd.s32 $0x10, s15;
	v4 =	vshrl.u32 v1, $0x17;
	v5 =	vadd.s32 v5, v6;
	v6 =	vand.u32 $0x180, v7;
	(ifvalue) =	ssetifvalue $0x7FFFFFFF  }
.Ltmp4:
0x51: {  	_ = 	snop;
	(pc) =	sbr.rel .LBB2_4-.Ltmp4, $1  }
0x52: {  	_ =	sdelay $0x3  }
.LBB2_6:
0x53: {  	_ =	sfence.sel $0x180000  }
0x54: {  	s2 =	simm.s32 $0x2;
	[bflag:$0x0] =	sbarrier.arrive $0xFFFF  }
0x55: {  	s30 =	simm.s32 $0x3;
	[sflag:s2] =	ssyncpa.u1 $0x1  }
0x56: {  	s31 =	simm.s32 $0x1;
	[sflag:s30] =	ssyncpa.u1 $0x1  }
0x57: {  	[sflag:s31] =	ssyncpa.u1 $0x1  }
0x58: {  	p0 =	sne.s32 s0, $0x0;
	_ =	strace $0x9000004A  }
0x59: {  	s0 =	sadd.s32 @!p0 $0x100000, s1;
	[bflag:$0x2] =	sbarrier.arrive $0xFFFF  }
0x5a: {  	[sflag:s0] =	ssyncadd.tile.s32 @!p0 $0x1;
	_ =	shalt  }
.Lfunc_end2:
_tile_overlayer_lowered:
.L_overlay_start_2:
0x5b: {  	(tag) =	ssettag $0x2  }
0x5c: {  	s0 =	rddreg [dreg:$0x0];
	s2 =	stileid.u32  }
0x5d: {  	s1 =	rddreg [dreg:$0x1];
	p0 =	sne.s32 s2, $0x0  }
0x5e: {  	s3 =	rddreg [dreg:$0x2];
	[bflag:$0x3] =	sbarrier.arrive $0xFFFF;
	s2 =	simm.s32 @!p0 $0x1C01  }
0x5f: {  	[timem:s3], [sflag:s2] =	dma.local @!p0 [hbm:s0], s1  }
0x60: {  	s0 =	simm.s32 @!p0 $0x1  }
0x61: {  	_ =	swait.ge @!p0 [sflag:s0], s1  }
0x62: {  	s1 =	ssub.s32 @!p0 $0x0, s1;
	[sflag:s0] =	ssyncset.done @!p0 $0x0  }
0x63: {  	[sflag:s0] =	ssyncadd.s32 @!p0 s1  }
0x64: {  	[bflag:$0x3] =	sbarrier.arrive $0xFFFF  }
0x65: {  	_ =	shalt  }

// kernel: gather_offload_async_start.2
scs
__scs_entry_jumppad:
0x0: {  	(pc) =	sbr.rel $0x88, $3  }
0x1: {  	(tag) =	ssettag $0x0;
	lr =	simm.s32 $0x1  }
0x2: {  	[smem:$0x3F97] =	sst lr;
	_ =	strace $0xD0000000  }
0x3: {  	_ = 	snop  }
0x4: {  	_ = 	snop  }
0x5: {  	_ = 	snop  }
0x6: {  	_ = 	snop  }
0x7: {  	_ = 	snop  }
__scs_overlays_trampoline_lowered:
0x8: {  	[smem:$0x3FA6] =	sst s0  }
0x9: {  	[smem:$0x3FA7] =	sst s1  }
0xa: {  	[smem:$0x3FA8] =	sst s2  }
0xb: {  	[smem:$0x3FA9] =	sst s3  }
0xc: {  	[smem:$0x3FAA] =	sst s4  }
0xd: {  	[smem:$0x3FAB] =	sst s5  }
0xe: {  	[smem:$0x3FAC] =	sst s6  }
0xf: {  	[smem:$0x3FAD] =	sst s7  }
0x10: {  	[smem:$0x3FAE] =	sst s8  }
0x11: {  	[smem:$0x3FAF] =	sst s9;
	s0 =	simm.s32 @!p0 $0x0  }
0x12: {  	s1 =	sld [smem:$0x3F95];
	s0 =	simm.s32 @p0 $0x1  }
0x13: {  	[smem:$0x3FB0] =	sst s0;
	s0 =	simm.s32 @!p1 $0x0  }
0x14: {  	s2 =	sld [smem:$0x3F94];
	s0 =	simm.s32 @p1 $0x1  }
0x15: {  	[smem:$0x3FB1] =	sst s0;
	s0 =	simm.s32 @!p2 $0x0  }
0x16: {  	s3 =	sld [smem:$0x3FDB];
	s0 =	simm.s32 @p2 $0x1  }
0x17: {  	s4 =	simm.s32 $0x1BF5;
	[smem:$0x3FB3] =	sst s0  }
0x18: {  	s0 =	sld [smem:$0x3F96];
	_ =	swait.ge [sflag:s4], $0x0  }
0x19: {  	s7 =	sld [smem:$0x3F97]  }
0x1a: {  	s8 =	sadd.s32 $0xFFFFE003, lr  }
0x1b: {  	s9 =	sadd.s32 $0xFFFFFEF7, lr;
	s5 =	simm.s32 $0xFFFFFFFF;
	p2 =	slt.u32 s8, $0xFFFFF086  }
0x1c: {  	p1 =	slt.u32 s9, $0xF7A;
	s5 =	simm.s32 @!p2 $0x0  }
0x1d: {  	s5 =	simm.s32 @p1 $0x1;
	p0 =	seq.s32 s7, s2  }
0x1e: {  	s7 =	smul.u32 @!p0 $0xF7A, s2;
	p2 =	seq.s32 @!p0 s5, $0x0  }
0x1f: {  	s9 =	smul.u32 $0xF7A, s1;
	s8 =	simm.s32 @!p0 $0x1BF5;
	p2 =	por !p2, p0  }
0x20: {  	[sflag:s8] =	ssyncset.s32 @!p0 $0xFFFFF086;
	s6 =	sadd.s32 @!p0 s3, s7;
	s7 =	simm.s32 @!p0 $0x108  }
0x21: {  	s3 =	sadd.s32 s3, s9;
	s6 =	sadd.s32 @!p0 $0x88, s6;
	s7 =	simm.s32 @p2 $0x1082  }
0x22: {  	[simem:s7], [sflag:s8] =	dma.local @!p0 [hbm:s6], $0xF7A  }
0x23: {  	s9 =	sor.u32 $0xD0000000, s2;
	s6 =	simm.s32 $0x108;
	_ =	swait.ge @!p0 [sflag:s8], $0x0  }
0x24: {  	s3 =	sadd.s32 $0x88, s3;
	s6 =	simm.s32 @!p1 $0x1082;
	[sflag:s4] =	ssyncset.s32 $0xFFFFF086  }
0x25: {  	[simem:s6], [sflag:s4] =	dma.local [hbm:s3], $0xF7A  }
0x26: {  	[smem:$0x3F97] =	sst s1;
	(tag) =	ssettag s2;
	_ =	strace s9  }
0x27: {  	s1 =	sld [smem:$0x3FA7]  }
0x28: {  	s2 =	sld [smem:$0x3FA8]  }
0x29: {  	s4 =	sld [smem:$0x3FAA]  }
0x2a: {  	p0 =	seq.s32 s5, $0x0;
	s5 =	sld [smem:$0x3FAB]  }
0x2b: {  	s6 =	sld [smem:$0x3FAC]  }
0x2c: {  	s7 =	sld [smem:$0x3FAD]  }
0x2d: {  	s3 =	simm.s32 $0x108;
	s8 =	sld [smem:$0x3FAE]  }
0x2e: {  	s3 =	simm.s32 @!p0 $0x1082;
	s9 =	sld [smem:$0x3FAF]  }
0x2f: {  	lr =	sadd.s32 s0, s3;
	s0 =	sld [smem:$0x3FA6]  }
0x30: {  	s3 =	sld [smem:$0x3FA9]  }
0x31: {  	[smem:$0x3FB2] =	sst s10  }
0x32: {  	s10 =	sld [smem:$0x3FB0];
	_ =	sdelay $0x3  }
0x33: {  	p0 =	seq.s32 s10, $0x1;
	s10 =	sld [smem:$0x3FB2];
	_ =	sdelay $0x3  }
0x34: {  	[smem:$0x3FB2] =	sst s10  }
0x35: {  	s10 =	sld [smem:$0x3FB1];
	_ =	sdelay $0x3  }
0x36: {  	p1 =	seq.s32 s10, $0x1;
	s10 =	sld [smem:$0x3FB2];
	_ =	sdelay $0x3  }
0x37: {  	[smem:$0x3FB2] =	sst s10  }
0x38: {  	s10 =	sld [smem:$0x3FB3]  }
0x39: {  	_ = 	snop;
	(pc) =	sbr.ind lr, $3  }
0x3a: {  	_ = 	snop  }
0x3b: {  	_ = 	snop  }
0x3c: {  	p2 =	seq.s32 s10, $0x1;
	s10 =	sld [smem:$0x3FB2]  }
0x3d: {  	_ =	shalt  }
0x3e: {  	_ =	shalt  }
0x3f: {  	_ =	shalt  }
0x40: {  	_ =	shalt  }
0x41: {  	_ =	shalt  }
0x42: {  	_ =	shalt  }
0x43: {  	_ =	shalt  }
0x44: {  	_ =	shalt  }
0x45: {  	_ =	shalt  }
0x46: {  	_ =	shalt  }
0x47: {  	_ =	shalt  }
0x48: {  	_ =	shalt  }
0x49: {  	_ =	shalt  }
0x4a: {  	_ =	shalt  }
0x4b: {  	_ =	shalt  }
0x4c: {  	_ =	shalt  }
0x4d: {  	_ =	shalt  }
0x4e: {  	_ =	shalt  }
0x4f: {  	_ =	shalt  }
0x50: {  	_ =	shalt  }
0x51: {  	_ =	shalt  }
0x52: {  	_ =	shalt  }
0x53: {  	_ =	shalt  }
0x54: {  	_ =	shalt  }
0x55: {  	_ =	shalt  }
0x56: {  	_ =	shalt  }
0x57: {  	_ =	shalt  }
0x58: {  	_ =	shalt  }
0x59: {  	_ =	shalt  }
0x5a: {  	_ =	shalt  }
0x5b: {  	_ =	shalt  }
0x5c: {  	_ =	shalt  }
0x5d: {  	_ =	shalt  }
0x5e: {  	_ =	shalt  }
0x5f: {  	_ =	shalt  }
0x60: {  	_ =	shalt  }
0x61: {  	_ =	shalt  }
0x62: {  	_ =	shalt  }
0x63: {  	_ =	shalt  }
0x64: {  	_ =	shalt  }
0x65: {  	_ =	shalt  }
0x66: {  	_ =	shalt  }
0x67: {  	_ =	shalt  }
0x68: {  	_ =	shalt  }
0x69: {  	_ =	shalt  }
0x6a: {  	_ =	shalt  }
0x6b: {  	_ =	shalt  }
0x6c: {  	_ =	shalt  }
0x6d: {  	_ =	shalt  }
0x6e: {  	_ =	shalt  }
0x6f: {  	_ =	shalt  }
0x70: {  	_ =	shalt  }
0x71: {  	_ =	shalt  }
0x72: {  	_ =	shalt  }
0x73: {  	_ =	shalt  }
0x74: {  	_ =	shalt  }
0x75: {  	_ =	shalt  }
0x76: {  	_ =	shalt  }
0x77: {  	_ =	shalt  }
0x78: {  	_ =	shalt  }
0x79: {  	_ =	shalt  }
0x7a: {  	_ =	shalt  }
0x7b: {  	_ =	shalt  }
0x7c: {  	_ =	shalt  }
0x7d: {  	_ =	shalt  }
0x7e: {  	_ =	shalt  }
0x7f: {  	_ =	shalt  }
0x80: {  	_ =	shalt  }
0x81: {  	_ =	shalt  }
0x82: {  	_ =	shalt  }
0x83: {  	_ =	shalt  }
0x84: {  	_ =	shalt  }
0x85: {  	_ =	shalt  }
0x86: {  	_ =	shalt  }
0x87: {  	_ =	shalt  }
.Lfunc_end0:
.L_simem_size_0:
called_computation.2_lowered:
.L_overlay_start_0:
0x88: {  	s2 =	sld [smem:$0x3FD9]  }
0x89: {  	s3 =	sld [smem:$0x3FFE];
	_ =	sdelay $0x1  }
0x8a: {  	s1 =	srdreg.scid  }
0x8b: {  	s0 =	sand.u32 $0x1, s1  }
0x8c: {  	s17 =	sshll.u32 s0, $0xA;
	s2 =	sadd.s32 s3, s2  }
0x8d: {  	s2 =	sadd.s32 s2, s17  }
0x8e: {  	[smem:$0x3FBE] =	sst s2  }
0x8f: {  	_ = 	snop  }
0x90: {  	s2 =	sld [smem:$0x3FC9];
	(tm) =	ssettm $0x1  }
0x91: {  	s18 =	sld [smem:$0x3FFB];
	_ =	sdelay $0x3  }
0x92: {  	_ =	strace s18  }
0x93: {  	s3 =	sld [smem:$0x3FFC];
	_ =	sdelay $0x3  }
0x94: {  	_ =	strace s3  }
0x95: {  	s3 =	sld [smem:$0x3FFD];
	_ =	sdelay $0x3  }
0x96: {  	_ =	strace s3  }
0x97: {  	_ =	strace $0x8FFFFFFF  }
0x98: {  	s19 =	sld [smem:$0x3FDB];
	_ =	sdelay $0x1  }
0x99: {  	s4 =	simm.s32 $_scs_section_size  }
0x9a: {  	s5 =	simm.s32 $_size__tile_overlayer_lowered;
	s6 =	simm.s32 $_tile_overlayer_lowered  }
0x9b: {  	s22 =	simm.s32 $0x1BFF;
	s21 =	sshll.u32 s6, $0x1;
	s3 =	sadd.s32 s4, s19  }
0x9c: {  	s7 =	simm.s32 $0x0;
	s20 =	sshll.u32 s5, $0x1;
	s5 =	sadd.s32 s21, s3  }
0x9d: {  	[timem:s7], [sflag:s22] =	dma.local [hbm:s5], s20  }
0x9e: {  	_ =	swait.ge [sflag:s22], s20  }
0x9f: {  	s4 =	ssub.s32 $0x0, s20;
	[sflag:s22] =	ssyncset.done $0x0  }
0xa0: {  	[sflag:s22] =	ssyncadd.s32 s4;
	_ =	sdelay $0x1  }
0xa1: {  	s23 =	simm.s32 $0x1B8B  }
0xa2: {  	_ =	swait.ge [sflag:s23], $0x1  }
0xa3: {  	[sflag:s23] =	ssyncset.done $0x0  }
0xa4: {  	s25 =	simm.s32 $0x1B8E;
	s24 =	sld [smem:$0x3FFE];
	[sflag:s23] =	ssyncadd.s32 $0xFFFFFFFF  }
0xa5: {  	s26 =	simm.s32 $execute0_lowered;
	[smem:$0x3FD2] =	sst s25  }
0xa6: {  	s5 =	sshll.u32 s26, $0x1;
	_ =	strace $0x80000046;
	[dreg:$0x1] =	wrdreg $0xFFFFFFFF  }
0xa7: {  	s28 =	simm.s32 $_size_execute0_lowered;
	s3 =	sadd.s32 s3, s5;
	[dreg:$0x0] =	wrdreg $0x0  }
0xa8: {  	s5 =	sshll.u32 s28, $0x1;
	[dreg:$0x2] =	wrdreg s3  }
0xa9: {  	[dreg:$0x3] =	wrdreg s5  }
0xaa: {  	[dreg:$0x4] =	wrdreg $0xC0  }
0xab: {  	_ =	task [dreg:s7], $0x5FFFF  }
0xac: {  	[dreg:$0x1] =	wrdreg $0xFFFFFFFF  }
0xad: {  	[dreg:$0x0] =	wrdreg $0x60  }
0xae: {  	[dreg:$0x2] =	wrdreg s2  }
0xaf: {  	[dreg:$0x3] =	wrdreg s24  }
0xb0: {  	[dreg:$0x4] =	wrdreg $0x9  }
0xb1: {  	_ =	task.clear_ibuf [dreg:s7], $0x5FFFF;
	_ =	strace $0x90000046  }
0xb2: {  	s29 =	simm.s32 $0x9;
	_ =	strace $0x80000048  }
0xb3: {  	_ =	swait.ge [sflag:s29], $0x1  }
0xb4: {  	[sflag:s29] =	ssyncadd.s32 $0xFFFFFFFF  }
0xb5: {  	_ =	strace $0x90000048  }
0xb6: {  	_ =	sfence  }
0xb7: {  	s30 =	sld [smem:$0x0];
	_ =	sdelay $0x2  }
0xb8: {  	s31 =	sshll.u32 s1, $0xD;
	s1 =	sshrl.u32 s1, $0x2  }
0xb9: {  	s3 =	sand.u32 $0x4000, s31;
	s1 =	sadd.s32 s1, s30  }
0xba: {  	s0 =	sor.u32 s3, s0;
	s1 =	sshll.u32 s1, $0x11  }
0xbb: {  	s0 =	sor.u32 s1, s0  }
0xbc: {  	s0 =	sadd.s32 $0x8F2B, s0  }
0xbd: {  	[sflag:s0] =	ssyncadd.remote.s32 $0x1  }
0xbe: {  	_ =	sfence.sel $0xFFFF  }
0xbf: {  	[dreg:$0x0] =	wrdreg $0xFFFFFFFF;
	(pc) =	sbr.abs _section_cstart, $3  }
0xc0: {  	[dreg:$0x1] =	wrdreg $0xFFFFFFFF  }
0xc1: {  	_ =	task.clear_ibuf [dreg:s7], $0x2FFFF;
	_ =	strace $0x9FFFFFFF  }
0xc2: {  	(tm) =	ssettm $0x7FFFFFFF  }
0xc3: {  	_ =	shalt  }
tec
execute0_lowered:
.L_overlay_start_1:
0x0: {  	(tag) =	ssettag $0x1  }
0x1: {  	s0 =	stileid.u32;
	s1 =	srdreg.scid  }
0x2: {  	s1 =	sand.u32 $0x1, s1;
	s2 =	sshll.u32 s0, $0x1  }
0x3: {  	s1 =	sor.u32 s2, s1  }
0x4: {  	s2 =	smul.u32 $0x7BC0, s1;
	_ =	sdelay $0x1  }
0x5: {  	s6 =	ssub.s32 $0x4D5800, s2  }
0x6: {  	s3 =	rddreg [dreg:$0x0];
	s31 =	smulhi.u32 $0x4232AF, s6  }
0x7: {  	s8 =	rddreg [dreg:$0x1];
	s5 =	simm.s32 $0x1  }
0x8: {  	s10 =	simm.s32 $0x3;
	s13 =	simm.s32 $0x0;
	s7 =	sshrl.u32 s31, $0xA  }
0x9: {  	s12 =	simm.s32 $0x0;
	s4 =	sadd.s32 $0x2B600, s8;
	s9 =	smul.u32 $0xF7800, s7  }
.Ltmp0:
0xa: {  	s8 =	sadd.s32 $0xC6200, s8;
	s1 =	rddreg [dreg:$0x2];
	(pc) =	sbr.rel .LBB2_1-.Ltmp0, $4  }
0xb: {  	_ =	strace $0x80000047;
	p0 =	sne.s32 s6, s9;
	s9 =	simm.s32 $0x1  }
0xc: {  	[sflag:s5] =	ssyncpa.u1 $0x0;
	s6 =	simm.s32 $0x2;
	s9 =	simm.s32 @!p0 $0x0  }
0xd: {  	s11 =	smov.u32 s2;
	[sflag:s6] =	ssyncpa.u1 $0x0;
	s7 =	sadd.s32 s9, s7  }
0xe: {  	vm0 =	vmmov $0xffff;
	[sflag:s10] =	ssyncpa.u1 $0x0;
	s10 =	simm.s32 $0x0;
	s9 =	sadd.s32 $0x1, s7  }
.LBB2_4:
0xf: {  	vm2 =	veq.s32 v2, $0x80000000;
	v4 =	vand.u32 $0x3, v4;
	v5 =	vor.u32 v6, v5  }
0x10: {  	v1 =	vand.u32 $0x7FFFFF, v1;
	v7 =	vshrl.u32 v2, $0x17;
	v56 =	vand.u32 $0x7FFFFF, v2  }
0x11: {  	v4 =	vsel vm1, $0xFFFFFFFF, v4;
	v3 =	vor.u32 v3, v5;
	v1 =	vsel vm1, $0xFFFFFFFF, v1  }
0x12: {  	vm1 =	vmmov vm2;
	v7 =	vand.u32 $0x3, v7;
	v54 =	vshrl.u32 v4, $0x2  }
0x13: {  	v4 =	vshll.u32 v4, $0x7;
	v55 =	vshll.u32 v1, $0x2;
	v57 =	vsel vm1, $0xFFFFFFFF, v7  }
0x14: {  	v2 =	vsel vm1, $0xFFFFFFFF, v56;
	v1 =	vand.u32 $0x7F, v1;
	v5 =	vmul.u32 $0x1356000, v54  }
0x15: {  	v6 =	vand.u32 $0xFFFFFE00, v55;
	v4 =	vand.u32 $0x180, v4;
	v7 =	vshrl.u32 v57, $0x2  }
0x16: {  	v59 =	vshll.u32 v2, $0x2;
	v58 =	vmul.u32 $0x1356000, v7;
	v5 =	vadd.s32 v6, v5  }
0x17: {  	v7 =	vand.u32 $0xFFFFFE00, v59;
	v6 =	vshll.u32 v57, $0x7;
	v4 =	vor.u32 v4, v5  }
0x18: {  	v60 =	vadd.s32 v7, v58;
	v61 =	vand.u32 $0x180, v6;
	v1 =	vor.u32 v1, v4  }
0x19: {  	[tilespmem:s16], [sflag:$0x1] =	stream.indirect_vreg.gather [hbm4b:s3+s10], $0x1, v0, vm0, $0x4038;
	v62 =	vand.u32 $0x7F, v2;
	v63 =	vor.u32 v61, v60;
	[tilespmem:$0x1EF00] =	vst v63  }
0x1a: {  	(ifvalue) =	ssetifvalue $0x7FFFFFFF;
	v0 =	vor.u32 v62, v63  }
0x1b: {  	[tilespmem:s15], [sflag:$0x1] =	stream.indirect_vreg.gather [hbm4b:s3+s10], $0x1, v3, vm0, $0x4038;
	[tilespmem:$0x1EF00] =	vst v63  }
0x1c: {  	s29 =	sadd.s32 $0x10, s15;
	(ifvalue) =	ssetifvalue $0x7FFFFFFF  }
0x1d: {  	[tilespmem:s29], [sflag:$0x1] =	stream.indirect_vreg.gather [hbm4b:s3+s10], $0x1, v1, vm0, $0x4038;
	[tilespmem:$0x1EF00] =	vst v63  }
0x1e: {  	s15 =	sadd.s32 $0x10, s29;
	(ifvalue) =	ssetifvalue $0x7FFFFFFF  }
0x1f: {  	[tilespmem:s15], [sflag:$0x1] =	stream.indirect_vreg.gather [hbm4b:s3+s10], $0x1, v0, vm0, $0x4038;
	[tilespmem:$0x1EF00] =	vst v63  }
0x20: {  	_ =	swait.ge [sflag:s5], $0x7BC0  }
0x21: {  	s30 =	sshrl.u32 s13, $0x3;
	[sflag:s5] =	ssyncset.done $0x0  }
0x22: {  	s31 =	sand.u32 $0x7, s13;
	s15 =	sadd.s32 s8, s30;
	[sflag:s5] =	ssyncadd.s32 $0xFFFF8440  }
0x23: {  	[hbm4b:s15+s31] =	stream.linear.scatter [tilespmem:s14], [sflag:$0x3], $0x7BC0, $0x38;
	[tilespmem:$0x1EF00] =	vst v63  }
.LBB2_5:
0x24: {  	s15 =	sadd.s32 $0xF7800, s11  }
0x25: {  	p1 =	sgt.s32 s15, $0x4D57FF  }
0x26: {  	s15 =	smov.u32 @p1 s2;
	p1 =	sne.s32 s12, s9  }
.Ltmp1:
0x27: {  	p0 =	slt.u32 s12, $0x2;
	(pc) =	sbr.rel @!p1 .LBB2_6-.Ltmp1, $4  }
0x28: {  	s14 =	simm.s32 @!p0 $0x3  }
0x29: {  	_ =	swait.ge @!p0 [sflag:s14], $0x7BC0  }
0x2a: {  	s16 =	sadd.s32 $0x1, s12;
	s13 =	smov.u32 s11;
	[sflag:s14] =	ssyncset.done @!p0 $0x0  }
0x2b: {  	s12 =	smov.u32 s16;
	s11 =	smov.u32 s15;
	[sflag:s14] =	ssyncadd.s32 @!p0 $0xFFFF8440  }
.LBB2_1:
0x2c: {  	p0 =	sge.u32 s12, s7  }
0x2d: {  	s14 =	sxor.u32 @!p0 $0xFFFFFFFF, s12  }
0x2e: {  	s14 =	sand.u32 @!p0 $0x1, s14  }
0x2f: {  	s14 =	smul.u32 @!p0 $0x1EF00, s14  }
0x30: {  	s31 =	sadd.s32 $0xFFFFFFFF, s12;
	s15 =	sshrl.u32 @!p0 s11, $0x3  }
0x31: {  	s16 =	sand.u32 @!p0 $0x7, s11;
	s15 =	sadd.s32 @!p0 s4, s15;
	s14 =	sshrl.u32 @!p0 s14, $0x2  }
0x32: {  	[tilespmem:s14], [sflag:$0x2] =	stream.linear.gather @!p0 [hbm4b:s15+s16], $0x7BC0, $0x38;
	[tilespmem:$0x1EF00] =	vst v63  }
0x33: {  	p0 =	sge.u32 s31, s7  }
.Ltmp2:
0x34: {  	_ = 	snop;
	(pc) =	sbr.rel @p0 .LBB2_5-.Ltmp2, $1  }
0x35: {  	_ =	sdelay $0x3  }
0x36: {  	s14 =	sand.u32 $0x1, s12  }
0x37: {  	_ =	swait.ge [sflag:s6], $0x7BC0;
	p0 =	seq.s32 s14, $0x1;
	s14 =	simm.s32 $0x7BC0  }
0x38: {  	[sflag:s6] =	ssyncset.done $0x0;
	s14 =	simm.s32 @!p0 $0x0  }
0x39: {  	[sflag:s6] =	ssyncadd.s32 $0xFFFF8440;
	(ifvalue) =	ssetifvalue $0x7FFFFFFF;
	v0 =	vld.msk [tilespmem:s14+$0x0 ss:$0x1], $0xffff;
	_ =	sdelay $0x2  }
0x3a: {  	s15 =	sadd.s32 $0x10, s14  }
0x3b: {  	v2 =	vld.msk [tilespmem:s15+$0x0 ss:$0x1], $0xffff  }
0x3c: {  	vm1 =	veq.s32 v0, $0x80000000;
	v1 =	vshrl.u32 v0, $0x17  }
0x3d: {  	vm1 =	vmmov vm1;
	v3 =	vand.u32 $0x3, v1  }
0x3e: {  	v0 =	vand.u32 $0x7FFFFF, v0;
	v3 =	vsel vm1, $0xFFFFFFFF, v3  }
0x3f: {  	s15 =	sadd.s32 $0x10, s15;
	v0 =	vsel vm1, $0xFFFFFFFF, v0;
	v4 =	vshrl.u32 v3, $0x2  }
0x40: {  	v1 =	vld.msk [tilespmem:s15+$0x0 ss:$0x1], $0xffff;
	v6 =	vshrl.u32 v2, $0x17;
	v5 =	vshll.u32 v0, $0x2;
	v4 =	vmul.u32 $0x1356000, v4  }
0x41: {  	vm1 =	veq.s32 v2, $0x80000000;
	v3 =	vshll.u32 v3, $0x7;
	v5 =	vand.u32 $0xFFFFFE00, v5  }
0x42: {  	v0 =	vand.u32 $0x7F, v0;
	v3 =	vand.u32 $0x180, v3;
	v4 =	vadd.s32 v5, v4  }
0x43: {  	vm1 =	vmmov vm1;
	v5 =	vand.u32 $0x3, v6;
	v3 =	vor.u32 v3, v4  }
0x44: {  	v2 =	vand.u32 $0x7FFFFF, v2;
	v4 =	vsel vm1, $0xFFFFFFFF, v5;
	v0 =	vor.u32 v0, v3  }
0x45: {  	s15 =	sadd.s32 $0x10, s15;
	vm2 =	veq.s32 v1, $0x80000000;
	v3 =	vsel vm1, $0xFFFFFFFF, v2;
	v2 =	vshrl.u32 v4, $0x2  }
0x46: {  	s14 =	sadd.s32 $0xF780, s14;
	v6 =	vshll.u32 v4, $0x7;
	v5 =	vmul.u32 $0x1356000, v2;
	v4 =	vshll.u32 v3, $0x2;
	v2 =	vld.msk [tilespmem:s15+$0x0 ss:$0x1], $0xffff  }
0x47: {  	s17 =	simm.s32 $0x30;
	s16 =	smov.u32 s14;
	vm1 =	vmmov vm2;
	v3 =	vand.u32 $0x7F, v3;
	v7 =	vand.u32 $0xFFFFFE00, v4  }
0x48: {  	s18 =	sadd.s32 $0x10, s15;
	v6 =	vand.u32 $0x180, v6;
	(ifvalue) =	ssetifvalue $0x7FFFFFFF;
	s15 =	sadd.s32 $0x10, s14;
	v4 =	vshrl.u32 v1, $0x17;
	v5 =	vadd.s32 v7, v5  }
.LBB2_3:
0x49: {  	[tilespmem:s16], [sflag:$0x1] =	stream.indirect_vreg.gather [hbm4b:s3+s10], $0x1, v0, vm0, $0x4038;
	[tilespmem:$0x1EF00] =	vst v63  }
0x4a: {  	s17 =	sadd.s32 $0x10, s17  }
0x4b: {  	vm2 =	veq.s32 v2, $0x80000000;
	v4 =	vand.u32 $0x3, v4;
	v5 =	vor.u32 v6, v5;
	v6 =	vmovc v2;
	v2 =	vld.msk [tilespmem:s18+$0x0 ss:$0x1], $0xffff;
	p0 =	slt.u32 s17, $0x7BB0  }
.Ltmp3:
0x4c: {  	v7 =	vand.u32 $0x7FFFFF, v1;
	s16 =	smov.u32 s15;
	v4 =	vsel vm1, $0xFFFFFFFF, v4;
	v0 =	vor.u32 v3, v5;
	v1 =	vmovc v6;
	(pc) =	sbr.rel @p0 .LBB2_3-.Ltmp3, $4  }
0x4d: {  	v5 =	vsel vm1, $0xFFFFFFFF, v7;
	v6 =	vshrl.u32 v4, $0x2;
	v7 =	vshll.u32 v4, $0x7  }
0x4e: {  	v3 =	vand.u32 $0x7F, v5;
	v4 =	vshll.u32 v5, $0x2;
	v6 =	vmul.u32 $0x1356000, v6  }
0x4f: {  	vm1 =	vmmov vm2;
	v5 =	vand.u32 $0xFFFFFE00, v4  }
0x50: {  	s18 =	sadd.s32 $0x10, s18;
	s15 =	sadd.s32 $0x10, s15;
	v4 =	vshrl.u32 v1, $0x17;
	v5 =	vadd.s32 v5, v6;
	v6 =	vand.u32 $0x180, v7;
	(ifvalue) =	ssetifvalue $0x7FFFFFFF  }
.Ltmp4:
0x51: {  	_ = 	snop;
	(pc) =	sbr.rel .LBB2_4-.Ltmp4, $1  }
0x52: {  	_ =	sdelay $0x3  }
.LBB2_6:
0x53: {  	_ =	sfence.sel $0x180000  }
0x54: {  	s2 =	simm.s32 $0x2;
	[bflag:$0x0] =	sbarrier.arrive $0xFFFF  }
0x55: {  	s30 =	simm.s32 $0x3;
	[sflag:s2] =	ssyncpa.u1 $0x1  }
0x56: {  	s31 =	simm.s32 $0x1;
	[sflag:s30] =	ssyncpa.u1 $0x1  }
0x57: {  	[sflag:s31] =	ssyncpa.u1 $0x1  }
0x58: {  	p0 =	sne.s32 s0, $0x0;
	_ =	strace $0x90000047  }
0x59: {  	s0 =	sadd.s32 @!p0 $0x100000, s1;
	[bflag:$0x2] =	sbarrier.arrive $0xFFFF  }
0x5a: {  	[sflag:s0] =	ssyncadd.tile.s32 @!p0 $0x1;
	_ =	shalt  }
.Lfunc_end2:
_tile_overlayer_lowered:
.L_overlay_start_2:
0x5b: {  	(tag) =	ssettag $0x2  }
0x5c: {  	s0 =	rddreg [dreg:$0x0];
	s2 =	stileid.u32  }
0x5d: {  	s1 =	rddreg [dreg:$0x1];
	p0 =	sne.s32 s2, $0x0  }
0x5e: {  	s3 =	rddreg [dreg:$0x2];
	[bflag:$0x3] =	sbarrier.arrive $0xFFFF;
	s2 =	simm.s32 @!p0 $0x1C01  }
0x5f: {  	[timem:s3], [sflag:s2] =	dma.local @!p0 [hbm:s0], s1  }
0x60: {  	s0 =	simm.s32 @!p0 $0x1  }
0x61: {  	_ =	swait.ge @!p0 [sflag:s0], s1  }
0x62: {  	s1 =	ssub.s32 @!p0 $0x0, s1;
	[sflag:s0] =	ssyncset.done @!p0 $0x0  }
0x63: {  	[sflag:s0] =	ssyncadd.s32 @!p0 s1  }
0x64: {  	[bflag:$0x3] =	sbarrier.arrive $0xFFFF  }
0x65: {  	_ =	shalt  }

// kernel: gather_offload_async_start
scs
__scs_entry_jumppad:
0x0: {  	(pc) =	sbr.rel $0x88, $3  }
0x1: {  	(tag) =	ssettag $0x0;
	lr =	simm.s32 $0x1  }
0x2: {  	[smem:$0x3F97] =	sst lr;
	_ =	strace $0xD0000000  }
0x3: {  	_ = 	snop  }
0x4: {  	_ = 	snop  }
0x5: {  	_ = 	snop  }
0x6: {  	_ = 	snop  }
0x7: {  	_ = 	snop  }
__scs_overlays_trampoline_lowered:
0x8: {  	[smem:$0x3FA6] =	sst s0  }
0x9: {  	[smem:$0x3FA7] =	sst s1  }
0xa: {  	[smem:$0x3FA8] =	sst s2  }
0xb: {  	[smem:$0x3FA9] =	sst s3  }
0xc: {  	[smem:$0x3FAA] =	sst s4  }
0xd: {  	[smem:$0x3FAB] =	sst s5  }
0xe: {  	[smem:$0x3FAC] =	sst s6  }
0xf: {  	[smem:$0x3FAD] =	sst s7  }
0x10: {  	[smem:$0x3FAE] =	sst s8  }
0x11: {  	[smem:$0x3FAF] =	sst s9;
	s0 =	simm.s32 @!p0 $0x0  }
0x12: {  	s1 =	sld [smem:$0x3F95];
	s0 =	simm.s32 @p0 $0x1  }
0x13: {  	[smem:$0x3FB0] =	sst s0;
	s0 =	simm.s32 @!p1 $0x0  }
0x14: {  	s2 =	sld [smem:$0x3F94];
	s0 =	simm.s32 @p1 $0x1  }
0x15: {  	[smem:$0x3FB1] =	sst s0;
	s0 =	simm.s32 @!p2 $0x0  }
0x16: {  	s3 =	sld [smem:$0x3FDB];
	s0 =	simm.s32 @p2 $0x1  }
0x17: {  	s4 =	simm.s32 $0x1BF5;
	[smem:$0x3FB3] =	sst s0  }
0x18: {  	s0 =	sld [smem:$0x3F96];
	_ =	swait.ge [sflag:s4], $0x0  }
0x19: {  	s7 =	sld [smem:$0x3F97]  }
0x1a: {  	s8 =	sadd.s32 $0xFFFFE003, lr  }
0x1b: {  	s9 =	sadd.s32 $0xFFFFFEF7, lr;
	s5 =	simm.s32 $0xFFFFFFFF;
	p2 =	slt.u32 s8, $0xFFFFF086  }
0x1c: {  	p1 =	slt.u32 s9, $0xF7A;
	s5 =	simm.s32 @!p2 $0x0  }
0x1d: {  	s5 =	simm.s32 @p1 $0x1;
	p0 =	seq.s32 s7, s2  }
0x1e: {  	s7 =	smul.u32 @!p0 $0xF7A, s2;
	p2 =	seq.s32 @!p0 s5, $0x0  }
0x1f: {  	s9 =	smul.u32 $0xF7A, s1;
	s8 =	simm.s32 @!p0 $0x1BF5;
	p2 =	por !p2, p0  }
0x20: {  	[sflag:s8] =	ssyncset.s32 @!p0 $0xFFFFF086;
	s6 =	sadd.s32 @!p0 s3, s7;
	s7 =	simm.s32 @!p0 $0x108  }
0x21: {  	s3 =	sadd.s32 s3, s9;
	s6 =	sadd.s32 @!p0 $0x88, s6;
	s7 =	simm.s32 @p2 $0x1082  }
0x22: {  	[simem:s7], [sflag:s8] =	dma.local @!p0 [hbm:s6], $0xF7A  }
0x23: {  	s9 =	sor.u32 $0xD0000000, s2;
	s6 =	simm.s32 $0x108;
	_ =	swait.ge @!p0 [sflag:s8], $0x0  }
0x24: {  	s3 =	sadd.s32 $0x88, s3;
	s6 =	simm.s32 @!p1 $0x1082;
	[sflag:s4] =	ssyncset.s32 $0xFFFFF086  }
0x25: {  	[simem:s6], [sflag:s4] =	dma.local [hbm:s3], $0xF7A  }
0x26: {  	[smem:$0x3F97] =	sst s1;
	(tag) =	ssettag s2;
	_ =	strace s9  }
0x27: {  	s1 =	sld [smem:$0x3FA7]  }
0x28: {  	s2 =	sld [smem:$0x3FA8]  }
0x29: {  	s4 =	sld [smem:$0x3FAA]  }
0x2a: {  	p0 =	seq.s32 s5, $0x0;
	s5 =	sld [smem:$0x3FAB]  }
0x2b: {  	s6 =	sld [smem:$0x3FAC]  }
0x2c: {  	s7 =	sld [smem:$0x3FAD]  }
0x2d: {  	s3 =	simm.s32 $0x108;
	s8 =	sld [smem:$0x3FAE]  }
0x2e: {  	s3 =	simm.s32 @!p0 $0x1082;
	s9 =	sld [smem:$0x3FAF]  }
0x2f: {  	lr =	sadd.s32 s0, s3;
	s0 =	sld [smem:$0x3FA6]  }
0x30: {  	s3 =	sld [smem:$0x3FA9]  }
0x31: {  	[smem:$0x3FB2] =	sst s10  }
0x32: {  	s10 =	sld [smem:$0x3FB0];
	_ =	sdelay $0x3  }
0x33: {  	p0 =	seq.s32 s10, $0x1;
	s10 =	sld [smem:$0x3FB2];
	_ =	sdelay $0x3  }
0x34: {  	[smem:$0x3FB2] =	sst s10  }
0x35: {  	s10 =	sld [smem:$0x3FB1];
	_ =	sdelay $0x3  }
0x36: {  	p1 =	seq.s32 s10, $0x1;
	s10 =	sld [smem:$0x3FB2];
	_ =	sdelay $0x3  }
0x37: {  	[smem:$0x3FB2] =	sst s10  }
0x38: {  	s10 =	sld [smem:$0x3FB3]  }
0x39: {  	_ = 	snop;
	(pc) =	sbr.ind lr, $3  }
0x3a: {  	_ = 	snop  }
0x3b: {  	_ = 	snop  }
0x3c: {  	p2 =	seq.s32 s10, $0x1;
	s10 =	sld [smem:$0x3FB2]  }
0x3d: {  	_ =	shalt  }
0x3e: {  	_ =	shalt  }
0x3f: {  	_ =	shalt  }
0x40: {  	_ =	shalt  }
0x41: {  	_ =	shalt  }
0x42: {  	_ =	shalt  }
0x43: {  	_ =	shalt  }
0x44: {  	_ =	shalt  }
0x45: {  	_ =	shalt  }
0x46: {  	_ =	shalt  }
0x47: {  	_ =	shalt  }
0x48: {  	_ =	shalt  }
0x49: {  	_ =	shalt  }
0x4a: {  	_ =	shalt  }
0x4b: {  	_ =	shalt  }
0x4c: {  	_ =	shalt  }
0x4d: {  	_ =	shalt  }
0x4e: {  	_ =	shalt  }
0x4f: {  	_ =	shalt  }
0x50: {  	_ =	shalt  }
0x51: {  	_ =	shalt  }
0x52: {  	_ =	shalt  }
0x53: {  	_ =	shalt  }
0x54: {  	_ =	shalt  }
0x55: {  	_ =	shalt  }
0x56: {  	_ =	shalt  }
0x57: {  	_ =	shalt  }
0x58: {  	_ =	shalt  }
0x59: {  	_ =	shalt  }
0x5a: {  	_ =	shalt  }
0x5b: {  	_ =	shalt  }
0x5c: {  	_ =	shalt  }
0x5d: {  	_ =	shalt  }
0x5e: {  	_ =	shalt  }
0x5f: {  	_ =	shalt  }
0x60: {  	_ =	shalt  }
0x61: {  	_ =	shalt  }
0x62: {  	_ =	shalt  }
0x63: {  	_ =	shalt  }
0x64: {  	_ =	shalt  }
0x65: {  	_ =	shalt  }
0x66: {  	_ =	shalt  }
0x67: {  	_ =	shalt  }
0x68: {  	_ =	shalt  }
0x69: {  	_ =	shalt  }
0x6a: {  	_ =	shalt  }
0x6b: {  	_ =	shalt  }
0x6c: {  	_ =	shalt  }
0x6d: {  	_ =	shalt  }
0x6e: {  	_ =	shalt  }
0x6f: {  	_ =	shalt  }
0x70: {  	_ =	shalt  }
0x71: {  	_ =	shalt  }
0x72: {  	_ =	shalt  }
0x73: {  	_ =	shalt  }
0x74: {  	_ =	shalt  }
0x75: {  	_ =	shalt  }
0x76: {  	_ =	shalt  }
0x77: {  	_ =	shalt  }
0x78: {  	_ =	shalt  }
0x79: {  	_ =	shalt  }
0x7a: {  	_ =	shalt  }
0x7b: {  	_ =	shalt  }
0x7c: {  	_ =	shalt  }
0x7d: {  	_ =	shalt  }
0x7e: {  	_ =	shalt  }
0x7f: {  	_ =	shalt  }
0x80: {  	_ =	shalt  }
0x81: {  	_ =	shalt  }
0x82: {  	_ =	shalt  }
0x83: {  	_ =	shalt  }
0x84: {  	_ =	shalt  }
0x85: {  	_ =	shalt  }
0x86: {  	_ =	shalt  }
0x87: {  	_ =	shalt  }
.Lfunc_end0:
.L_simem_size_0:
called_computation_lowered:
.L_overlay_start_0:
0x88: {  	s2 =	sld [smem:$0x3FD9]  }
0x89: {  	s3 =	sld [smem:$0x3FFE];
	_ =	sdelay $0x1  }
0x8a: {  	s1 =	srdreg.scid  }
0x8b: {  	s0 =	sand.u32 $0x1, s1  }
0x8c: {  	s17 =	sshll.u32 s0, $0xA;
	s2 =	sadd.s32 s3, s2  }
0x8d: {  	s2 =	sadd.s32 s2, s17  }
0x8e: {  	[smem:$0x3FBE] =	sst s2  }
0x8f: {  	_ = 	snop  }
0x90: {  	s18 =	sld [smem:$0x3FC9];
	(tm) =	ssettm $0x1  }
0x91: {  	s19 =	sld [smem:$0x3FFB];
	_ =	sdelay $0x3  }
0x92: {  	_ =	strace s19  }
0x93: {  	s2 =	sld [smem:$0x3FFC];
	_ =	sdelay $0x3  }
0x94: {  	_ =	strace s2  }
0x95: {  	s2 =	sld [smem:$0x3FFD];
	_ =	sdelay $0x3  }
0x96: {  	_ =	strace s2  }
0x97: {  	_ =	strace $0x8FFFFFFF  }
0x98: {  	s20 =	sld [smem:$0x3FDB];
	_ =	sdelay $0x1  }
0x99: {  	s4 =	simm.s32 $_scs_section_size  }
0x9a: {  	s5 =	simm.s32 $_size__tile_overlayer_lowered;
	s6 =	simm.s32 $_tile_overlayer_lowered  }
0x9b: {  	s7 =	simm.s32 $0x1BFF;
	s21 =	sshll.u32 s6, $0x1;
	s4 =	sadd.s32 s4, s20  }
0x9c: {  	s22 =	simm.s32 $0x0;
	s5 =	sshll.u32 s5, $0x1;
	s6 =	sadd.s32 s21, s4  }
0x9d: {  	[timem:s22], [sflag:s7] =	dma.local [hbm:s6], s5  }
0x9e: {  	_ =	swait.ge [sflag:s7], s5  }
0x9f: {  	s5 =	ssub.s32 $0x0, s5;
	[sflag:s7] =	ssyncset.done $0x0  }
0xa0: {  	[sflag:s7] =	ssyncadd.s32 s5;
	_ =	sdelay $0x1  }
0xa1: {  	s23 =	simm.s32 $0x1B8B  }
0xa2: {  	_ =	swait.ge [sflag:s23], $0x1  }
0xa3: {  	[sflag:s23] =	ssyncset.done $0x0  }
0xa4: {  	[sflag:s23] =	ssyncadd.s32 $0xFFFFFFFF  }
0xa5: {  	s5 =	sld [smem:$0x0]  }
0xa6: {  	s6 =	sand.u32 $0xFFFFFFFE, s1  }
0xa7: {  	p0 =	sne.s32 s1, s6  }
0xa8: {  	s6 =	sshll.u32 @p0 s6, $0xE  }
0xa9: {  	s6 =	sadd.s32 @p0 $0x11B8D, s6;
	s7 =	sshll.u32 @p0 s5, $0x11  }
0xaa: {  	s6 =	sor.u32 @p0 s7, s6  }
0xab: {  	[sflag:s6] =	ssyncadd.remote.s32 @p0 $0x1;
	_ =	sdelay $0x1  }
0xac: {  	s6 =	simm.s32 @p0 $0x1B8D  }
0xad: {  	_ =	swait.eq @p0 [sflag:s6], $0x1  }
0xae: {  	[sflag:s6] =	ssyncadd.s32 @p0 $0xFFFFFFFF  }
0xaf: {  	s7 =	sshll.u32 @!p0 s1, $0xE  }
0xb0: {  	s7 =	sor.u32 @!p0 $0x4000, s7;
	s6 =	simm.s32 @!p0 $0x1B8D  }
0xb1: {  	s5 =	sshll.u32 @!p0 s5, $0x11;
	s7 =	sadd.s32 @!p0 $0x11B8D, s7;
	_ =	swait.eq @!p0 [sflag:s6], $0x1  }
0xb2: {  	s5 =	sor.u32 @!p0 s5, s7;
	[sflag:s6] =	ssyncadd.s32 @!p0 $0xFFFFFFFF  }
0xb3: {  	s25 =	simm.s32 $0x1B8E;
	s24 =	sld [smem:$0x3FFE];
	[sflag:s5] =	ssyncadd.remote.s32 @!p0 $0x1  }
0xb4: {  	s26 =	simm.s32 $execute0_lowered;
	[smem:$0x3FD2] =	sst s25  }
0xb5: {  	s6 =	sshll.u32 s26, $0x1;
	_ =	strace $0x8000004C;
	[dreg:$0x1] =	wrdreg $0xFFFFFFFF  }
0xb6: {  	s28 =	simm.s32 $_size_execute0_lowered;
	s4 =	sadd.s32 s4, s6;
	[dreg:$0x0] =	wrdreg $0x0  }
0xb7: {  	s6 =	sshll.u32 s28, $0x1;
	[dreg:$0x2] =	wrdreg s4  }
0xb8: {  	[dreg:$0x3] =	wrdreg s6  }
0xb9: {  	[dreg:$0x4] =	wrdreg $0xC0  }
0xba: {  	_ =	task [dreg:s22], $0x5FFFF  }
0xbb: {  	[dreg:$0x1] =	wrdreg $0xFFFFFFFF  }
0xbc: {  	[dreg:$0x0] =	wrdreg $0x60  }
0xbd: {  	[dreg:$0x2] =	wrdreg s18  }
0xbe: {  	[dreg:$0x3] =	wrdreg s24  }
0xbf: {  	[dreg:$0x4] =	wrdreg $0x9  }
0xc0: {  	_ =	task.clear_ibuf [dreg:s22], $0x5FFFF;
	_ =	strace $0x9000004C  }
0xc1: {  	s29 =	simm.s32 $0x9;
	_ =	strace $0x8000004E  }
0xc2: {  	_ =	swait.ge [sflag:s29], $0x1  }
0xc3: {  	[sflag:s29] =	ssyncadd.s32 $0xFFFFFFFF  }
0xc4: {  	_ =	strace $0x9000004E  }
0xc5: {  	_ =	sfence  }
0xc6: {  	s30 =	sld [smem:$0x0];
	_ =	sdelay $0x2  }
0xc7: {  	s31 =	sshll.u32 s1, $0xD;
	s1 =	sshrl.u32 s1, $0x2  }
0xc8: {  	s4 =	sand.u32 $0x4000, s31;
	s1 =	sadd.s32 s1, s30  }
0xc9: {  	s0 =	sor.u32 s4, s0;
	s1 =	sshll.u32 s1, $0x11  }
0xca: {  	s0 =	sor.u32 s1, s0  }
0xcb: {  	s0 =	sadd.s32 $0x8F2B, s0  }
0xcc: {  	[sflag:s0] =	ssyncadd.remote.s32 $0x1  }
0xcd: {  	_ =	sfence.sel $0xFFFF  }
0xce: {  	[dreg:$0x0] =	wrdreg $0xFFFFFFFF;
	(pc) =	sbr.abs _section_cstart, $3  }
0xcf: {  	[dreg:$0x1] =	wrdreg $0xFFFFFFFF  }
0xd0: {  	_ =	task.clear_ibuf [dreg:s22], $0x2FFFF;
	_ =	strace $0x9FFFFFFF  }
0xd1: {  	(tm) =	ssettm $0x7FFFFFFF  }
tec
execute0_lowered:
.L_overlay_start_1:
0x0: {  	(tag) =	ssettag $0x1  }
0x1: {  	s0 =	stileid.u32;
	s1 =	srdreg.scid  }
0x2: {  	s1 =	sand.u32 $0x1, s1;
	s2 =	sshll.u32 s0, $0x1  }
0x3: {  	s1 =	sor.u32 s2, s1  }
0x4: {  	s2 =	smul.u32 $0x7BC0, s1;
	_ =	sdelay $0x1  }
0x5: {  	s6 =	ssub.s32 $0x4D5800, s2  }
0x6: {  	s3 =	rddreg [dreg:$0x0];
	s31 =	smulhi.u32 $0x4232AF, s6  }
0x7: {  	s8 =	rddreg [dreg:$0x1];
	s5 =	simm.s32 $0x1  }
0x8: {  	s10 =	simm.s32 $0x3;
	s13 =	simm.s32 $0x0;
	s7 =	sshrl.u32 s31, $0xA  }
0x9: {  	s12 =	simm.s32 $0x0;
	s4 =	sadd.s32 $0x1FD000, s8;
	s9 =	smul.u32 $0xF7800, s7  }
.Ltmp0:
0xa: {  	s8 =	sadd.s32 $0x297C00, s8;
	s1 =	rddreg [dreg:$0x2];
	(pc) =	sbr.rel .LBB2_1-.Ltmp0, $4  }
0xb: {  	_ =	strace $0x8000004D;
	p0 =	sne.s32 s6, s9;
	s9 =	simm.s32 $0x1  }
0xc: {  	[sflag:s5] =	ssyncpa.u1 $0x0;
	s6 =	simm.s32 $0x2;
	s9 =	simm.s32 @!p0 $0x0  }
0xd: {  	s11 =	smov.u32 s2;
	[sflag:s6] =	ssyncpa.u1 $0x0;
	s7 =	sadd.s32 s9, s7  }
0xe: {  	vm0 =	vmmov $0xffff;
	[sflag:s10] =	ssyncpa.u1 $0x0;
	s10 =	simm.s32 $0x0;
	s9 =	sadd.s32 $0x1, s7  }
.LBB2_4:
0xf: {  	vm2 =	veq.s32 v2, $0x80000000;
	v4 =	vand.u32 $0x3, v4;
	v5 =	vor.u32 v6, v5  }
0x10: {  	v1 =	vand.u32 $0x7FFFFF, v1;
	v7 =	vshrl.u32 v2, $0x17;
	v56 =	vand.u32 $0x7FFFFF, v2  }
0x11: {  	v4 =	vsel vm1, $0xFFFFFFFF, v4;
	v3 =	vor.u32 v3, v5;
	v1 =	vsel vm1, $0xFFFFFFFF, v1  }
0x12: {  	vm1 =	vmmov vm2;
	v7 =	vand.u32 $0x3, v7;
	v54 =	vshrl.u32 v4, $0x2  }
0x13: {  	v4 =	vshll.u32 v4, $0x7;
	v55 =	vshll.u32 v1, $0x2;
	v57 =	vsel vm1, $0xFFFFFFFF, v7  }
0x14: {  	v2 =	vsel vm1, $0xFFFFFFFF, v56;
	v1 =	vand.u32 $0x7F, v1;
	v5 =	vmul.u32 $0x1356000, v54  }
0x15: {  	v6 =	vand.u32 $0xFFFFFE00, v55;
	v4 =	vand.u32 $0x180, v4;
	v7 =	vshrl.u32 v57, $0x2  }
0x16: {  	v59 =	vshll.u32 v2, $0x2;
	v58 =	vmul.u32 $0x1356000, v7;
	v5 =	vadd.s32 v6, v5  }
0x17: {  	v7 =	vand.u32 $0xFFFFFE00, v59;
	v6 =	vshll.u32 v57, $0x7;
	v4 =	vor.u32 v4, v5  }
0x18: {  	v60 =	vadd.s32 v7, v58;
	v61 =	vand.u32 $0x180, v6;
	v1 =	vor.u32 v1, v4  }
0x19: {  	[tilespmem:s16], [sflag:$0x1] =	stream.indirect_vreg.gather [hbm4b:s3+s10], $0x1, v0, vm0, $0x4038;
	v62 =	vand.u32 $0x7F, v2;
	v63 =	vor.u32 v61, v60;
	[tilespmem:$0x1EF00] =	vst v63  }
0x1a: {  	(ifvalue) =	ssetifvalue $0x7FFFFFFF;
	v0 =	vor.u32 v62, v63  }
0x1b: {  	[tilespmem:s15], [sflag:$0x1] =	stream.indirect_vreg.gather [hbm4b:s3+s10], $0x1, v3, vm0, $0x4038;
	[tilespmem:$0x1EF00] =	vst v63  }
0x1c: {  	s29 =	sadd.s32 $0x10, s15;
	(ifvalue) =	ssetifvalue $0x7FFFFFFF  }
0x1d: {  	[tilespmem:s29], [sflag:$0x1] =	stream.indirect_vreg.gather [hbm4b:s3+s10], $0x1, v1, vm0, $0x4038;
	[tilespmem:$0x1EF00] =	vst v63  }
0x1e: {  	s15 =	sadd.s32 $0x10, s29;
	(ifvalue) =	ssetifvalue $0x7FFFFFFF  }
0x1f: {  	[tilespmem:s15], [sflag:$0x1] =	stream.indirect_vreg.gather [hbm4b:s3+s10], $0x1, v0, vm0, $0x4038;
	[tilespmem:$0x1EF00] =	vst v63  }
0x20: {  	_ =	swait.ge [sflag:s5], $0x7BC0  }
0x21: {  	s30 =	sshrl.u32 s13, $0x3;
	[sflag:s5] =	ssyncset.done $0x0  }
0x22: {  	s31 =	sand.u32 $0x7, s13;
	s15 =	sadd.s32 s8, s30;
	[sflag:s5] =	ssyncadd.s32 $0xFFFF8440  }
0x23: {  	[hbm4b:s15+s31] =	stream.linear.scatter [tilespmem:s14], [sflag:$0x3], $0x7BC0, $0x38;
	[tilespmem:$0x1EF00] =	vst v63  }
.LBB2_5:
0x24: {  	s15 =	sadd.s32 $0xF7800, s11  }
0x25: {  	p1 =	sgt.s32 s15, $0x4D57FF  }
0x26: {  	s15 =	smov.u32 @p1 s2;
	p1 =	sne.s32 s12, s9  }
.Ltmp1:
0x27: {  	p0 =	slt.u32 s12, $0x2;
	(pc) =	sbr.rel @!p1 .LBB2_6-.Ltmp1, $4  }
0x28: {  	s14 =	simm.s32 @!p0 $0x3  }
0x29: {  	_ =	swait.ge @!p0 [sflag:s14], $0x7BC0  }
0x2a: {  	s16 =	sadd.s32 $0x1, s12;
	s13 =	smov.u32 s11;
	[sflag:s14] =	ssyncset.done @!p0 $0x0  }
0x2b: {  	s12 =	smov.u32 s16;
	s11 =	smov.u32 s15;
	[sflag:s14] =	ssyncadd.s32 @!p0 $0xFFFF8440  }
.LBB2_1:
0x2c: {  	p0 =	sge.u32 s12, s7  }
0x2d: {  	s14 =	sxor.u32 @!p0 $0xFFFFFFFF, s12  }
0x2e: {  	s14 =	sand.u32 @!p0 $0x1, s14  }
0x2f: {  	s14 =	smul.u32 @!p0 $0x1EF00, s14  }
0x30: {  	s31 =	sadd.s32 $0xFFFFFFFF, s12;
	s15 =	sshrl.u32 @!p0 s11, $0x3  }
0x31: {  	s16 =	sand.u32 @!p0 $0x7, s11;
	s15 =	sadd.s32 @!p0 s4, s15;
	s14 =	sshrl.u32 @!p0 s14, $0x2  }
0x32: {  	[tilespmem:s14], [sflag:$0x2] =	stream.linear.gather @!p0 [hbm4b:s15+s16], $0x7BC0, $0x38;
	[tilespmem:$0x1EF00] =	vst v63  }
0x33: {  	p0 =	sge.u32 s31, s7  }
.Ltmp2:
0x34: {  	_ = 	snop;
	(pc) =	sbr.rel @p0 .LBB2_5-.Ltmp2, $1  }
0x35: {  	_ =	sdelay $0x3  }
0x36: {  	s14 =	sand.u32 $0x1, s12  }
0x37: {  	_ =	swait.ge [sflag:s6], $0x7BC0;
	p0 =	seq.s32 s14, $0x1;
	s14 =	simm.s32 $0x7BC0  }
0x38: {  	[sflag:s6] =	ssyncset.done $0x0;
	s14 =	simm.s32 @!p0 $0x0  }
0x39: {  	[sflag:s6] =	ssyncadd.s32 $0xFFFF8440;
	(ifvalue) =	ssetifvalue $0x7FFFFFFF;
	v0 =	vld.msk [tilespmem:s14+$0x0 ss:$0x1], $0xffff;
	_ =	sdelay $0x2  }
0x3a: {  	s15 =	sadd.s32 $0x10, s14  }
0x3b: {  	v2 =	vld.msk [tilespmem:s15+$0x0 ss:$0x1], $0xffff  }
0x3c: {  	vm1 =	veq.s32 v0, $0x80000000;
	v1 =	vshrl.u32 v0, $0x17  }
0x3d: {  	vm1 =	vmmov vm1;
	v3 =	vand.u32 $0x3, v1  }
0x3e: {  	v0 =	vand.u32 $0x7FFFFF, v0;
	v3 =	vsel vm1, $0xFFFFFFFF, v3  }
0x3f: {  	s15 =	sadd.s32 $0x10, s15;
	v0 =	vsel vm1, $0xFFFFFFFF, v0;
	v4 =	vshrl.u32 v3, $0x2  }
0x40: {  	v1 =	vld.msk [tilespmem:s15+$0x0 ss:$0x1], $0xffff;
	v6 =	vshrl.u32 v2, $0x17;
	v5 =	vshll.u32 v0, $0x2;
	v4 =	vmul.u32 $0x1356000, v4  }
0x41: {  	vm1 =	veq.s32 v2, $0x80000000;
	v3 =	vshll.u32 v3, $0x7;
	v5 =	vand.u32 $0xFFFFFE00, v5  }
0x42: {  	v0 =	vand.u32 $0x7F, v0;
	v3 =	vand.u32 $0x180, v3;
	v4 =	vadd.s32 v5, v4  }
0x43: {  	vm1 =	vmmov vm1;
	v5 =	vand.u32 $0x3, v6;
	v3 =	vor.u32 v3, v4  }
0x44: {  	v2 =	vand.u32 $0x7FFFFF, v2;
	v4 =	vsel vm1, $0xFFFFFFFF, v5;
	v0 =	vor.u32 v0, v3  }
0x45: {  	s15 =	sadd.s32 $0x10, s15;
	vm2 =	veq.s32 v1, $0x80000000;
	v3 =	vsel vm1, $0xFFFFFFFF, v2;
	v2 =	vshrl.u32 v4, $0x2  }
0x46: {  	s14 =	sadd.s32 $0xF780, s14;
	v6 =	vshll.u32 v4, $0x7;
	v5 =	vmul.u32 $0x1356000, v2;
	v4 =	vshll.u32 v3, $0x2;
	v2 =	vld.msk [tilespmem:s15+$0x0 ss:$0x1], $0xffff  }
0x47: {  	s17 =	simm.s32 $0x30;
	s16 =	smov.u32 s14;
	vm1 =	vmmov vm2;
	v3 =	vand.u32 $0x7F, v3;
	v7 =	vand.u32 $0xFFFFFE00, v4  }
0x48: {  	s18 =	sadd.s32 $0x10, s15;
	v6 =	vand.u32 $0x180, v6;
	(ifvalue) =	ssetifvalue $0x7FFFFFFF;
	s15 =	sadd.s32 $0x10, s14;
	v4 =	vshrl.u32 v1, $0x17;
	v5 =	vadd.s32 v7, v5  }
.LBB2_3:
0x49: {  	[tilespmem:s16], [sflag:$0x1] =	stream.indirect_vreg.gather [hbm4b:s3+s10], $0x1, v0, vm0, $0x4038;
	[tilespmem:$0x1EF00] =	vst v63  }
0x4a: {  	s17 =	sadd.s32 $0x10, s17  }
0x4b: {  	vm2 =	veq.s32 v2, $0x80000000;
	v4 =	vand.u32 $0x3, v4;
	v5 =	vor.u32 v6, v5;
	v6 =	vmovc v2;
	v2 =	vld.msk [tilespmem:s18+$0x0 ss:$0x1], $0xffff;
	p0 =	slt.u32 s17, $0x7BB0  }
.Ltmp3:
0x4c: {  	v7 =	vand.u32 $0x7FFFFF, v1;
	s16 =	smov.u32 s15;
	v4 =	vsel vm1, $0xFFFFFFFF, v4;
	v0 =	vor.u32 v3, v5;
	v1 =	vmovc v6;
	(pc) =	sbr.rel @p0 .LBB2_3-.Ltmp3, $4  }
0x4d: {  	v5 =	vsel vm1, $0xFFFFFFFF, v7;
	v6 =	vshrl.u32 v4, $0x2;
	v7 =	vshll.u32 v4, $0x7  }
0x4e: {  	v3 =	vand.u32 $0x7F, v5;
	v4 =	vshll.u32 v5, $0x2;
	v6 =	vmul.u32 $0x1356000, v6  }
0x4f: {  	vm1 =	vmmov vm2;
	v5 =	vand.u32 $0xFFFFFE00, v4  }
0x50: {  	s18 =	sadd.s32 $0x10, s18;
	s15 =	sadd.s32 $0x10, s15;
	v4 =	vshrl.u32 v1, $0x17;
	v5 =	vadd.s32 v5, v6;
	v6 =	vand.u32 $0x180, v7;
	(ifvalue) =	ssetifvalue $0x7FFFFFFF  }
.Ltmp4:
0x51: {  	_ = 	snop;
	(pc) =	sbr.rel .LBB2_4-.Ltmp4, $1  }
0x52: {  	_ =	sdelay $0x3  }
.LBB2_6:
0x53: {  	_ =	sfence.sel $0x180000  }
0x54: {  	s2 =	simm.s32 $0x2;
	[bflag:$0x0] =	sbarrier.arrive $0xFFFF  }
0x55: {  	s30 =	simm.s32 $0x3;
	[sflag:s2] =	ssyncpa.u1 $0x1  }
0x56: {  	s31 =	simm.s32 $0x1;
	[sflag:s30] =	ssyncpa.u1 $0x1  }
0x57: {  	[sflag:s31] =	ssyncpa.u1 $0x1  }
0x58: {  	p0 =	sne.s32 s0, $0x0;
	_ =	strace $0x9000004D  }
0x59: {  	s0 =	sadd.s32 @!p0 $0x100000, s1;
	[bflag:$0x2] =	sbarrier.arrive $0xFFFF  }
0x5a: {  	[sflag:s0] =	ssyncadd.tile.s32 @!p0 $0x1;
	_ =	shalt  }
.Lfunc_end2:
_tile_overlayer_lowered:
.L_overlay_start_2:
0x5b: {  	(tag) =	ssettag $0x2  }
0x5c: {  	s0 =	rddreg [dreg:$0x0];
	s2 =	stileid.u32  }
0x5d: {  	s1 =	rddreg [dreg:$0x1];
	p0 =	sne.s32 s2, $0x0  }
0x5e: {  	s3 =	rddreg [dreg:$0x2];
	[bflag:$0x3] =	sbarrier.arrive $0xFFFF;
	s2 =	simm.s32 @!p0 $0x1C01  }
0x5f: {  	[timem:s3], [sflag:s2] =	dma.local @!p0 [hbm:s0], s1  }
0x60: {  	s0 =	simm.s32 @!p0 $0x1  }
0x61: {  	_ =	swait.ge @!p0 [sflag:s0], s1  }
0x62: {  	s1 =	ssub.s32 @!p0 $0x0, s1;
	[sflag:s0] =	ssyncset.done @!p0 $0x0  }
0x63: {  	[sflag:s0] =	ssyncadd.s32 @!p0 s1  }
0x64: {  	[bflag:$0x3] =	sbarrier.arrive $0xFFFF  }
0x65: {  	_ =	shalt  }

</sc_bundles>
